<compile_context>
chip_gen: v7x
topology: tpu7x:2x2x1
jax: 0.10.2.dev20260603
libtpu: 0.0.44.dev20260713+nightly
codegen_flags: <defaults>
</compile_context>

<pallas_src>
import jax
import jax.numpy as jnp
from jax import lax
from jax.experimental import pallas as pl
from jax.experimental.pallas import tpu as pltpu
from jax.experimental.pallas import tpu_sc as plsc

EMBED_DIM = 64
NUM_BATCHES = 1000
B = 16384

NC = 2
NS = 16
NW = NC * NS
B_PER_W = B // NW
N_SUB = 4
SUB = B_PER_W // N_SUB


def _sc_body(x_hbm, idx_hbm, table_hbm, out_hbm,
             idx_v, rows_v, x_v, x_sem, g_sems, o_sem):
    wid = lax.axis_index("s") * NC + lax.axis_index("c")
    base = wid * B_PER_W

    x_copy = pltpu.async_copy(x_hbm.at[pl.ds(base, B_PER_W)], x_v, x_sem)
    pltpu.sync_copy(idx_hbm.at[pl.ds(base, B_PER_W)], idx_v)
    gathers = [
        pltpu.async_copy(
            table_hbm.at[idx_v.at[pl.ds(j * SUB, SUB)]],
            rows_v.at[j], g_sems.at[j])
        for j in range(3)
    ]
    x_copy.wait()

    stores = []
    for j in range(N_SUB):
        gathers[j % 3].wait()

        def sub_row(p):
            r = j * SUB + p
            for c in range(EMBED_DIM // 16):
                sl = pl.ds(c * 16, 16)
                x_v[r, sl] = x_v[r, sl] - rows_v[j % 3, p, sl]

        plsc.parallel_loop(0, SUB, 1, unroll=8)(sub_row)
        stores.append(pltpu.async_copy(
            x_v.at[pl.ds(j * SUB, SUB)],
            out_hbm.at[pl.ds(base + j * SUB, SUB)], o_sem))
        if j + 3 < N_SUB:
            gathers[j % 3] = pltpu.async_copy(
                table_hbm.at[idx_v.at[pl.ds((j + 3) * SUB, SUB)]],
                rows_v.at[j % 3], g_sems.at[j % 3])
    for s in stores:
        s.wait()


@jax.jit
def _batch_correct(x, batch_labels, batch_embed):
    mesh = plsc.VectorSubcoreMesh(core_axis_name="c", subcore_axis_name="s")
    tpad = jnp.pad(batch_embed, ((0, 0), (0, 128 - EMBED_DIM)))
    return pl.kernel(
        _sc_body,
        out_type=jax.ShapeDtypeStruct((B, EMBED_DIM), jnp.float32),
        mesh=mesh,
        scratch_types=[
            pltpu.VMEM((B_PER_W,), jnp.int32),
            pltpu.VMEM((3, SUB, 128), jnp.float32),
            pltpu.VMEM((B_PER_W, EMBED_DIM), jnp.float32),
            pltpu.SemaphoreType.DMA,
            pltpu.SemaphoreType.DMA((3,)),
            pltpu.SemaphoreType.DMA,
        ],
        compiler_params=pltpu.CompilerParams(
            use_tc_tiling_on_sc=True,
            needs_layout_passes=False,
            disable_bounds_checks=True,
            disable_semaphore_checks=True,
            skip_device_barrier=True,
        ),
    )(x, batch_labels, tpad)


def kernel(x, batch_labels, batch_embed):
    return _batch_correct(x, batch_labels.astype(jnp.int32), batch_embed)

# --- scband reference (transcript-rebuilt; emitter-appended) ---
"""Pipeline reference for scband-batch-correction-55344948576794 (READ-ONLY COPY).

The authoritative reference and input builder live on the scoring server;
editing this copy changes nothing except your own understanding.
"""

import jax, jax.numpy as jnp
import numpy as np

EMBED_DIM = 64
NUM_BATCHES = 1000
B = 16384

def setup_inputs(seed: int = 0) -> dict:
    key = jax.random.key(seed)
    k_x, k_lbl, k_tab = jax.random.split(key, 3)
    x = jax.random.normal(k_x, (B, EMBED_DIM), dtype=jnp.float32)
    batch_labels = jax.random.randint(k_lbl, (B,), 0, NUM_BATCHES, dtype=jnp.int64 if jax.config.jax_enable_x64 else jnp.int32)
    batch_embed = jax.random.normal(k_tab, (NUM_BATCHES, EMBED_DIM), dtype=jnp.float32)
    return {"x": x, "batch_labels": batch_labels, "batch_embed": batch_embed}

def reference(x, batch_labels, batch_embed):
    batch_effect = jnp.take(batch_embed, batch_labels, axis=0)
    return x - batch_effect

if __name__ == "__main__":
    import jax
    _d = setup_inputs()
    print(jax.jit(kernel)(*tuple(_d.values())))

</pallas_src>

<mosaic_0001>
#map = affine_map<(d0, d1) -> (0, 0)>
#map1 = affine_map<(d0, d1) -> (0)>
module attributes {stable_mosaic.version = 14 : i64} {
  func.func @_sc_body(%arg0: i32, %arg1: i32, %arg2: memref<16384x64xf32, #tpu.memory_space<hbm>>, %arg3: memref<16384xi32, #tpu.memory_space<hbm>>, %arg4: memref<1000x128xf32, #tpu.memory_space<hbm>>, %arg5: memref<16384x64xf32, #tpu.memory_space<hbm>>, %arg6: memref<512xi32, #tpu.memory_space<vmem>>, %arg7: memref<3x128x128xf32, #tpu.memory_space<vmem>>, %arg8: memref<512x64xf32, #tpu.memory_space<vmem>>, %arg9: memref<!tpu.dma_semaphore, #tpu.memory_space<semaphore_mem>>, %arg10: memref<3x!tpu.dma_semaphore, #tpu.memory_space<semaphore_mem>>, %arg11: memref<!tpu.dma_semaphore, #tpu.memory_space<semaphore_mem>>) attributes {dimension_semantics = [#tpu.dimension_semantics<core_parallel>, #tpu.dimension_semantics<subcore_parallel>], iteration_bounds = array<i64: 2, 16>, scalar_prefetch = 0 : i64, scratch_operands = 6 : i64, tpu.core_type = #tpu.core_type<sc_vector_subcore>, window_params = [{transform_indices = #map}, {transform_indices = #map1}, {transform_indices = #map}, {transform_indices = #map}]} {
    %mul3A = arith.constant 2 : i32
    %mul3A_0 = arith.muli %arg1, %mul3A : i32
    %add3A = arith.addi %mul3A_0, %arg0 : i32
    %mul3A_1 = arith.constant 512 : i32
    %mul3A_2 = arith.muli %add3A, %mul3A_1 : i32
    %dma_start3A = arith.constant 0 : i32
    %dma_start3A_3 = tpu.memref_slice %arg2[%mul3A_2, %dma_start3A] : memref<16384x64xf32, #tpu.memory_space<hbm>> -> memref<512x64xf32, #tpu.memory_space<hbm>>
    %dma_start3A_4 = arith.constant 0 : i32
    %dma_start3A_5 = tpu.memref_slice %arg2[%mul3A_2, %dma_start3A_4] : memref<16384x64xf32, #tpu.memory_space<hbm>> -> memref<512x64xf32, #tpu.memory_space<hbm>>
    tpu.enqueue_dma source(%dma_start3A_5 : memref<512x64xf32, #tpu.memory_space<hbm>>) target(%arg8 : memref<512x64xf32, #tpu.memory_space<vmem>>) target_semaphore(%arg9 : memref<!tpu.dma_semaphore, #tpu.memory_space<semaphore_mem>>)
    "tpu.region"() ({
      %run_scoped3A = tpu.sem_alloc : memref<!tpu.dma_semaphore, #tpu.memory_space<semaphore_mem>>
      %dma_start3A_212 = tpu.memref_slice %arg3[%mul3A_2] : memref<16384xi32, #tpu.memory_space<hbm>> -> memref<512xi32, #tpu.memory_space<hbm>>
      %dma_start3A_213 = tpu.memref_slice %arg3[%mul3A_2] : memref<16384xi32, #tpu.memory_space<hbm>> -> memref<512xi32, #tpu.memory_space<hbm>>
      tpu.enqueue_dma source(%dma_start3A_213 : memref<512xi32, #tpu.memory_space<hbm>>) target(%arg6 : memref<512xi32, #tpu.memory_space<vmem>>) target_semaphore(%run_scoped3A : memref<!tpu.dma_semaphore, #tpu.memory_space<semaphore_mem>>)
      %dma_wait3A_214 = tpu.memref_slice %arg3[%mul3A_2] : memref<16384xi32, #tpu.memory_space<hbm>> -> memref<512xi32, #tpu.memory_space<hbm>>
      %dma_wait3A_215 = tpu.memref_slice %arg3[%mul3A_2] : memref<16384xi32, #tpu.memory_space<hbm>> -> memref<512xi32, #tpu.memory_space<hbm>>
      tpu.wait_dma2 semaphore(%run_scoped3A : memref<!tpu.dma_semaphore, #tpu.memory_space<semaphore_mem>>) src(%dma_wait3A_215 : memref<512xi32, #tpu.memory_space<hbm>>) dst(%arg6 : memref<512xi32, #tpu.memory_space<vmem>>)
      tpu.yield
    }) : () -> ()
    %dma_start3A_6 = arith.constant 0 : i32
    %dma_start3A_7 = arith.constant 0 : i32
    %dma_start3A_8 = arith.constant 0 : i32
    %dma_start3A_9 = arith.constant 0 : i32
    %dma_start3A_10 = tpu.memref_slice %arg7[%dma_start3A_6, %dma_start3A_8, %dma_start3A_9] : memref<3x128x128xf32, #tpu.memory_space<vmem>> -> memref<1x128x128xf32, #tpu.memory_space<vmem>>
    %dma_start3A_11 = tpu.memref_squeeze %dma_start3A_10 : memref<1x128x128xf32, #tpu.memory_space<vmem>> -> memref<128x128xf32, #tpu.memory_space<vmem>>
    %dma_start3A_12 = arith.constant 0 : i32
    %dma_start3A_13 = tpu.memref_slice %arg6[%dma_start3A_12] : memref<512xi32, #tpu.memory_space<vmem>> -> memref<128xi32, #tpu.memory_space<vmem>>
    %dma_start3A_14 = arith.constant 0 : i32
    %dma_start3A_15 = arith.constant 0 : i32
    %dma_start3A_16 = tpu.memref_slice %arg4[%dma_start3A_14, %dma_start3A_15] : memref<1000x128xf32, #tpu.memory_space<hbm>> -> memref<1000x128xf32, #tpu.memory_space<hbm>>
    %dma_start3A_17 = tpu.memref_slice %arg10[%dma_start3A_7] : memref<3x!tpu.dma_semaphore, #tpu.memory_space<semaphore_mem>> -> memref<1x!tpu.dma_semaphore, #tpu.memory_space<semaphore_mem>>
    %dma_start3A_18 = tpu.memref_squeeze %dma_start3A_17 : memref<1x!tpu.dma_semaphore, #tpu.memory_space<semaphore_mem>> -> memref<!tpu.dma_semaphore, #tpu.memory_space<semaphore_mem>>
    tpu.enqueue_indirect_dma source(%dma_start3A_16 : memref<1000x128xf32, #tpu.memory_space<hbm>>) target(%dma_start3A_11 : memref<128x128xf32, #tpu.memory_space<vmem>>) offsets(%dma_start3A_13 : memref<128xi32, #tpu.memory_space<vmem>>) semaphore(%dma_start3A_18 : memref<!tpu.dma_semaphore, #tpu.memory_space<semaphore_mem>>)
    %dma_start3A_19 = arith.constant 1 : i32
    %dma_start3A_20 = arith.constant 1 : i32
    %dma_start3A_21 = arith.constant 0 : i32
    %dma_start3A_22 = arith.constant 0 : i32
    %dma_start3A_23 = tpu.memref_slice %arg7[%dma_start3A_19, %dma_start3A_21, %dma_start3A_22] : memref<3x128x128xf32, #tpu.memory_space<vmem>> -> memref<1x128x128xf32, #tpu.memory_space<vmem>>
    %dma_start3A_24 = tpu.memref_squeeze %dma_start3A_23 : memref<1x128x128xf32, #tpu.memory_space<vmem>> -> memref<128x128xf32, #tpu.memory_space<vmem>>
    %dma_start3A_25 = arith.constant 128 : i32
    %dma_start3A_26 = tpu.memref_slice %arg6[%dma_start3A_25] : memref<512xi32, #tpu.memory_space<vmem>> -> memref<128xi32, #tpu.memory_space<vmem>>
    %dma_start3A_27 = arith.constant 0 : i32
    %dma_start3A_28 = arith.constant 0 : i32
    %dma_start3A_29 = tpu.memref_slice %arg4[%dma_start3A_27, %dma_start3A_28] : memref<1000x128xf32, #tpu.memory_space<hbm>> -> memref<1000x128xf32, #tpu.memory_space<hbm>>
    %dma_start3A_30 = tpu.memref_slice %arg10[%dma_start3A_20] : memref<3x!tpu.dma_semaphore, #tpu.memory_space<semaphore_mem>> -> memref<1x!tpu.dma_semaphore, #tpu.memory_space<semaphore_mem>>
    %dma_start3A_31 = tpu.memref_squeeze %dma_start3A_30 : memref<1x!tpu.dma_semaphore, #tpu.memory_space<semaphore_mem>> -> memref<!tpu.dma_semaphore, #tpu.memory_space<semaphore_mem>>
    tpu.enqueue_indirect_dma source(%dma_start3A_29 : memref<1000x128xf32, #tpu.memory_space<hbm>>) target(%dma_start3A_24 : memref<128x128xf32, #tpu.memory_space<vmem>>) offsets(%dma_start3A_26 : memref<128xi32, #tpu.memory_space<vmem>>) semaphore(%dma_start3A_31 : memref<!tpu.dma_semaphore, #tpu.memory_space<semaphore_mem>>)
    %dma_start3A_32 = arith.constant 2 : i32
    %dma_start3A_33 = arith.constant 2 : i32
    %dma_start3A_34 = arith.constant 0 : i32
    %dma_start3A_35 = arith.constant 0 : i32
    %dma_start3A_36 = tpu.memref_slice %arg7[%dma_start3A_32, %dma_start3A_34, %dma_start3A_35] : memref<3x128x128xf32, #tpu.memory_space<vmem>> -> memref<1x128x128xf32, #tpu.memory_space<vmem>>
    %dma_start3A_37 = tpu.memref_squeeze %dma_start3A_36 : memref<1x128x128xf32, #tpu.memory_space<vmem>> -> memref<128x128xf32, #tpu.memory_space<vmem>>
    %dma_start3A_38 = arith.constant 256 : i32
    %dma_start3A_39 = tpu.memref_slice %arg6[%dma_start3A_38] : memref<512xi32, #tpu.memory_space<vmem>> -> memref<128xi32, #tpu.memory_space<vmem>>
    %dma_start3A_40 = arith.constant 0 : i32
    %dma_start3A_41 = arith.constant 0 : i32
    %dma_start3A_42 = tpu.memref_slice %arg4[%dma_start3A_40, %dma_start3A_41] : memref<1000x128xf32, #tpu.memory_space<hbm>> -> memref<1000x128xf32, #tpu.memory_space<hbm>>
    %dma_start3A_43 = tpu.memref_slice %arg10[%dma_start3A_33] : memref<3x!tpu.dma_semaphore, #tpu.memory_space<semaphore_mem>> -> memref<1x!tpu.dma_semaphore, #tpu.memory_space<semaphore_mem>>
    %dma_start3A_44 = tpu.memref_squeeze %dma_start3A_43 : memref<1x!tpu.dma_semaphore, #tpu.memory_space<semaphore_mem>> -> memref<!tpu.dma_semaphore, #tpu.memory_space<semaphore_mem>>
    tpu.enqueue_indirect_dma source(%dma_start3A_42 : memref<1000x128xf32, #tpu.memory_space<hbm>>) target(%dma_start3A_37 : memref<128x128xf32, #tpu.memory_space<vmem>>) offsets(%dma_start3A_39 : memref<128xi32, #tpu.memory_space<vmem>>) semaphore(%dma_start3A_44 : memref<!tpu.dma_semaphore, #tpu.memory_space<semaphore_mem>>)
    %dma_wait3A = arith.constant 0 : i32
    %dma_wait3A_45 = tpu.memref_slice %arg2[%mul3A_2, %dma_wait3A] : memref<16384x64xf32, #tpu.memory_space<hbm>> -> memref<512x64xf32, #tpu.memory_space<hbm>>
    %dma_wait3A_46 = arith.constant 0 : i32
    %dma_wait3A_47 = tpu.memref_slice %arg2[%mul3A_2, %dma_wait3A_46] : memref<16384x64xf32, #tpu.memory_space<hbm>> -> memref<512x64xf32, #tpu.memory_space<hbm>>
    tpu.wait_dma2 semaphore(%arg9 : memref<!tpu.dma_semaphore, #tpu.memory_space<semaphore_mem>>) src(%dma_wait3A_47 : memref<512x64xf32, #tpu.memory_space<hbm>>) dst(%arg8 : memref<512x64xf32, #tpu.memory_space<vmem>>)
    %dma_wait3A_48 = arith.constant 0 : i32
    %dma_wait3A_49 = arith.constant 0 : i32
    %dma_wait3A_50 = arith.constant 0 : i32
    %dma_wait3A_51 = arith.constant 0 : i32
    %dma_wait3A_52 = tpu.memref_slice %arg7[%dma_wait3A_48, %dma_wait3A_50, %dma_wait3A_51] : memref<3x128x128xf32, #tpu.memory_space<vmem>> -> memref<1x128x128xf32, #tpu.memory_space<vmem>>
    %dma_wait3A_53 = tpu.memref_squeeze %dma_wait3A_52 : memref<1x128x128xf32, #tpu.memory_space<vmem>> -> memref<128x128xf32, #tpu.memory_space<vmem>>
    %dma_wait3A_54 = arith.constant 0 : i32
    %dma_wait3A_55 = tpu.memref_slice %arg6[%dma_wait3A_54] : memref<512xi32, #tpu.memory_space<vmem>> -> memref<128xi32, #tpu.memory_space<vmem>>
    %dma_wait3A_56 = arith.constant 0 : i32
    %dma_wait3A_57 = arith.constant 0 : i32
    %dma_wait3A_58 = tpu.memref_slice %arg4[%dma_wait3A_56, %dma_wait3A_57] : memref<1000x128xf32, #tpu.memory_space<hbm>> -> memref<1000x128xf32, #tpu.memory_space<hbm>>
    %dma_wait3A_59 = tpu.memref_slice %arg10[%dma_wait3A_49] : memref<3x!tpu.dma_semaphore, #tpu.memory_space<semaphore_mem>> -> memref<1x!tpu.dma_semaphore, #tpu.memory_space<semaphore_mem>>
    %dma_wait3A_60 = tpu.memref_squeeze %dma_wait3A_59 : memref<1x!tpu.dma_semaphore, #tpu.memory_space<semaphore_mem>> -> memref<!tpu.dma_semaphore, #tpu.memory_space<semaphore_mem>>
    tpu.wait_indirect_dma semaphore(%dma_wait3A_60 : memref<!tpu.dma_semaphore, #tpu.memory_space<semaphore_mem>>) src(%dma_wait3A_58 : memref<1000x128xf32, #tpu.memory_space<hbm>>) dst(%dma_wait3A_53 : memref<128x128xf32, #tpu.memory_space<vmem>>)
    %parallel_loop3A = arith.constant 0 : i32
    %parallel_loop3A_61 = arith.constant 128 : i32
    %parallel_loop3A_62 = arith.constant 1 : i32
    scf.for %parallel_loop3A_212 = %parallel_loop3A to %parallel_loop3A_61 step %parallel_loop3A_62  : i32 {
      %parallel_loop3A_213 = arith.constant 0 : i32
      %parallel_loop3A_214 = arith.addi %parallel_loop3A_213, %parallel_loop3A_212 : i32
      %parallel_loop3A_215 = arith.index_cast %parallel_loop3A_214 : i32 to index
      %parallel_loop3A_216 = arith.constant 0 : index
      %parallel_loop3A_217 = tpu.vector_load %arg8[%parallel_loop3A_215, %parallel_loop3A_216] {strides = array<i32>} : memref<512x64xf32, #tpu.memory_space<vmem>>, vector<16xf32>,
      %parallel_loop3A_218 = arith.constant 0 : i32
      %parallel_loop3A_219 = arith.index_cast %parallel_loop3A_218 : i32 to index
      %parallel_loop3A_220 = arith.index_cast %parallel_loop3A_212 : i32 to index
      %parallel_loop3A_221 = arith.constant 0 : index
      %parallel_loop3A_222 = tpu.vector_load %arg7[%parallel_loop3A_219, %parallel_loop3A_220, %parallel_loop3A_221] {strides = array<i32>} : memref<3x128x128xf32, #tpu.memory_space<vmem>>, vector<16xf32>,
      %parallel_loop3A_223 = arith.subf %parallel_loop3A_217, %parallel_loop3A_222 : vector<16xf32>
      %parallel_loop3A_224 = arith.index_cast %parallel_loop3A_214 : i32 to index
      %parallel_loop3A_225 = arith.constant 0 : index
      %parallel_loop3A_226 = tpu.vector_load %arg8[%parallel_loop3A_224, %parallel_loop3A_225] {strides = array<i32>} : memref<512x64xf32, #tpu.memory_space<vmem>>, vector<16xf32>,
      tpu.vector_store %arg8[%parallel_loop3A_224, %parallel_loop3A_225], %parallel_loop3A_223 {strides = array<i32>} : memref<512x64xf32, #tpu.memory_space<vmem>>, vector<16xf32>,
      %parallel_loop3A_227 = arith.index_cast %parallel_loop3A_214 : i32 to index
      %parallel_loop3A_228 = arith.constant 16 : index
      %parallel_loop3A_229 = tpu.vector_load %arg8[%parallel_loop3A_227, %parallel_loop3A_228] {strides = array<i32>} : memref<512x64xf32, #tpu.memory_space<vmem>>, vector<16xf32>,
      %parallel_loop3A_230 = arith.constant 0 : i32
      %parallel_loop3A_231 = arith.index_cast %parallel_loop3A_230 : i32 to index
      %parallel_loop3A_232 = arith.index_cast %parallel_loop3A_212 : i32 to index
      %parallel_loop3A_233 = arith.constant 16 : index
      %parallel_loop3A_234 = tpu.vector_load %arg7[%parallel_loop3A_231, %parallel_loop3A_232, %parallel_loop3A_233] {strides = array<i32>} : memref<3x128x128xf32, #tpu.memory_space<vmem>>, vector<16xf32>,
      %parallel_loop3A_235 = arith.subf %parallel_loop3A_229, %parallel_loop3A_234 : vector<16xf32>
      %parallel_loop3A_236 = arith.index_cast %parallel_loop3A_214 : i32 to index
      %parallel_loop3A_237 = arith.constant 16 : index
      %parallel_loop3A_238 = tpu.vector_load %arg8[%parallel_loop3A_236, %parallel_loop3A_237] {strides = array<i32>} : memref<512x64xf32, #tpu.memory_space<vmem>>, vector<16xf32>,
      tpu.vector_store %arg8[%parallel_loop3A_236, %parallel_loop3A_237], %parallel_loop3A_235 {strides = array<i32>} : memref<512x64xf32, #tpu.memory_space<vmem>>, vector<16xf32>,
      %parallel_loop3A_239 = arith.index_cast %parallel_loop3A_214 : i32 to index
      %parallel_loop3A_240 = arith.constant 32 : index
      %parallel_loop3A_241 = tpu.vector_load %arg8[%parallel_loop3A_239, %parallel_loop3A_240] {strides = array<i32>} : memref<512x64xf32, #tpu.memory_space<vmem>>, vector<16xf32>,
      %parallel_loop3A_242 = arith.constant 0 : i32
      %parallel_loop3A_243 = arith.index_cast %parallel_loop3A_242 : i32 to index
      %parallel_loop3A_244 = arith.index_cast %parallel_loop3A_212 : i32 to index
      %parallel_loop3A_245 = arith.constant 32 : index
      %parallel_loop3A_246 = tpu.vector_load %arg7[%parallel_loop3A_243, %parallel_loop3A_244, %parallel_loop3A_245] {strides = array<i32>} : memref<3x128x128xf32, #tpu.memory_space<vmem>>, vector<16xf32>,
      %parallel_loop3A_247 = arith.subf %parallel_loop3A_241, %parallel_loop3A_246 : vector<16xf32>
      %parallel_loop3A_248 = arith.index_cast %parallel_loop3A_214 : i32 to index
      %parallel_loop3A_249 = arith.constant 32 : index
      %parallel_loop3A_250 = tpu.vector_load %arg8[%parallel_loop3A_248, %parallel_loop3A_249] {strides = array<i32>} : memref<512x64xf32, #tpu.memory_space<vmem>>, vector<16xf32>,
      tpu.vector_store %arg8[%parallel_loop3A_248, %parallel_loop3A_249], %parallel_loop3A_247 {strides = array<i32>} : memref<512x64xf32, #tpu.memory_space<vmem>>, vector<16xf32>,
      %parallel_loop3A_251 = arith.index_cast %parallel_loop3A_214 : i32 to index
      %parallel_loop3A_252 = arith.constant 48 : index
      %parallel_loop3A_253 = tpu.vector_load %arg8[%parallel_loop3A_251, %parallel_loop3A_252] {strides = array<i32>} : memref<512x64xf32, #tpu.memory_space<vmem>>, vector<16xf32>,
      %parallel_loop3A_254 = arith.constant 0 : i32
      %parallel_loop3A_255 = arith.index_cast %parallel_loop3A_254 : i32 to index
      %parallel_loop3A_256 = arith.index_cast %parallel_loop3A_212 : i32 to index
      %parallel_loop3A_257 = arith.constant 48 : index
      %parallel_loop3A_258 = tpu.vector_load %arg7[%parallel_loop3A_255, %parallel_loop3A_256, %parallel_loop3A_257] {strides = array<i32>} : memref<3x128x128xf32, #tpu.memory_space<vmem>>, vector<16xf32>,
      %parallel_loop3A_259 = arith.subf %parallel_loop3A_253, %parallel_loop3A_258 : vector<16xf32>
      %parallel_loop3A_260 = arith.index_cast %parallel_loop3A_214 : i32 to index
      %parallel_loop3A_261 = arith.constant 48 : index
      %parallel_loop3A_262 = tpu.vector_load %arg8[%parallel_loop3A_260, %parallel_loop3A_261] {strides = array<i32>} : memref<512x64xf32, #tpu.memory_space<vmem>>, vector<16xf32>,
      tpu.vector_store %arg8[%parallel_loop3A_260, %parallel_loop3A_261], %parallel_loop3A_259 {strides = array<i32>} : memref<512x64xf32, #tpu.memory_space<vmem>>, vector<16xf32>,
    } {sc.loop_unroll_factor = 8 : i64, sc.parallel_access}
    %add3A_63 = arith.constant 0 : i32
    %add3A_64 = arith.addi %mul3A_2, %add3A_63 : i32
    %dma_start3A_65 = arith.constant 0 : i32
    %dma_start3A_66 = arith.constant 0 : i32
    %dma_start3A_67 = tpu.memref_slice %arg8[%dma_start3A_65, %dma_start3A_66] : memref<512x64xf32, #tpu.memory_space<vmem>> -> memref<128x64xf32, #tpu.memory_space<vmem>>
    %dma_start3A_68 = arith.constant 0 : i32
    %dma_start3A_69 = tpu.memref_slice %arg5[%add3A_64, %dma_start3A_68] : memref<16384x64xf32, #tpu.memory_space<hbm>> -> memref<128x64xf32, #tpu.memory_space<hbm>>
    %dma_start3A_70 = arith.constant 0 : i32
    %dma_start3A_71 = tpu.memref_slice %arg5[%add3A_64, %dma_start3A_70] : memref<16384x64xf32, #tpu.memory_space<hbm>> -> memref<128x64xf32, #tpu.memory_space<hbm>>
    %dma_start3A_72 = arith.constant 0 : i32
    %dma_start3A_73 = arith.constant 0 : i32
    %dma_start3A_74 = tpu.memref_slice %arg8[%dma_start3A_72, %dma_start3A_73] : memref<512x64xf32, #tpu.memory_space<vmem>> -> memref<128x64xf32, #tpu.memory_space<vmem>>
    tpu.enqueue_dma source(%dma_start3A_74 : memref<128x64xf32, #tpu.memory_space<vmem>>) target(%dma_start3A_71 : memref<128x64xf32, #tpu.memory_space<hbm>>) target_semaphore(%arg11 : memref<!tpu.dma_semaphore, #tpu.memory_space<semaphore_mem>>)
    %dma_start3A_75 = arith.constant 0 : i32
    %dma_start3A_76 = arith.constant 0 : i32
    %dma_start3A_77 = arith.constant 0 : i32
    %dma_start3A_78 = arith.constant 0 : i32
    %dma_start3A_79 = tpu.memref_slice %arg7[%dma_start3A_75, %dma_start3A_77, %dma_start3A_78] : memref<3x128x128xf32, #tpu.memory_space<vmem>> -> memref<1x128x128xf32, #tpu.memory_space<vmem>>
    %dma_start3A_80 = tpu.memref_squeeze %dma_start3A_79 : memref<1x128x128xf32, #tpu.memory_space<vmem>> -> memref<128x128xf32, #tpu.memory_space<vmem>>
    %dma_start3A_81 = arith.constant 384 : i32
    %dma_start3A_82 = tpu.memref_slice %arg6[%dma_start3A_81] : memref<512xi32, #tpu.memory_space<vmem>> -> memref<128xi32, #tpu.memory_space<vmem>>
    %dma_start3A_83 = arith.constant 0 : i32
    %dma_start3A_84 = arith.constant 0 : i32
    %dma_start3A_85 = tpu.memref_slice %arg4[%dma_start3A_83, %dma_start3A_84] : memref<1000x128xf32, #tpu.memory_space<hbm>> -> memref<1000x128xf32, #tpu.memory_space<hbm>>
    %dma_start3A_86 = tpu.memref_slice %arg10[%dma_start3A_76] : memref<3x!tpu.dma_semaphore, #tpu.memory_space<semaphore_mem>> -> memref<1x!tpu.dma_semaphore, #tpu.memory_space<semaphore_mem>>
    %dma_start3A_87 = tpu.memref_squeeze %dma_start3A_86 : memref<1x!tpu.dma_semaphore, #tpu.memory_space<semaphore_mem>> -> memref<!tpu.dma_semaphore, #tpu.memory_space<semaphore_mem>>
    tpu.enqueue_indirect_dma source(%dma_start3A_85 : memref<1000x128xf32, #tpu.memory_space<hbm>>) target(%dma_start3A_80 : memref<128x128xf32, #tpu.memory_space<vmem>>) offsets(%dma_start3A_82 : memref<128xi32, #tpu.memory_space<vmem>>) semaphore(%dma_start3A_87 : memref<!tpu.dma_semaphore, #tpu.memory_space<semaphore_mem>>)
    %dma_wait3A_88 = arith.constant 1 : i32
    %dma_wait3A_89 = arith.constant 1 : i32
    %dma_wait3A_90 = arith.constant 0 : i32
    %dma_wait3A_91 = arith.constant 0 : i32
    %dma_wait3A_92 = tpu.memref_slice %arg7[%dma_wait3A_88, %dma_wait3A_90, %dma_wait3A_91] : memref<3x128x128xf32, #tpu.memory_space<vmem>> -> memref<1x128x128xf32, #tpu.memory_space<vmem>>
    %dma_wait3A_93 = tpu.memref_squeeze %dma_wait3A_92 : memref<1x128x128xf32, #tpu.memory_space<vmem>> -> memref<128x128xf32, #tpu.memory_space<vmem>>
    %dma_wait3A_94 = arith.constant 128 : i32
    %dma_wait3A_95 = tpu.memref_slice %arg6[%dma_wait3A_94] : memref<512xi32, #tpu.memory_space<vmem>> -> memref<128xi32, #tpu.memory_space<vmem>>
    %dma_wait3A_96 = arith.constant 0 : i32
    %dma_wait3A_97 = arith.constant 0 : i32
    %dma_wait3A_98 = tpu.memref_slice %arg4[%dma_wait3A_96, %dma_wait3A_97] : memref<1000x128xf32, #tpu.memory_space<hbm>> -> memref<1000x128xf32, #tpu.memory_space<hbm>>
    %dma_wait3A_99 = tpu.memref_slice %arg10[%dma_wait3A_89] : memref<3x!tpu.dma_semaphore, #tpu.memory_space<semaphore_mem>> -> memref<1x!tpu.dma_semaphore, #tpu.memory_space<semaphore_mem>>
    %dma_wait3A_100 = tpu.memref_squeeze %dma_wait3A_99 : memref<1x!tpu.dma_semaphore, #tpu.memory_space<semaphore_mem>> -> memref<!tpu.dma_semaphore, #tpu.memory_space<semaphore_mem>>
    tpu.wait_indirect_dma semaphore(%dma_wait3A_100 : memref<!tpu.dma_semaphore, #tpu.memory_space<semaphore_mem>>) src(%dma_wait3A_98 : memref<1000x128xf32, #tpu.memory_space<hbm>>) dst(%dma_wait3A_93 : memref<128x128xf32, #tpu.memory_space<vmem>>)
    %parallel_loop3A_101 = arith.constant 0 : i32
    %parallel_loop3A_102 = arith.constant 128 : i32
    %parallel_loop3A_103 = arith.constant 1 : i32
    scf.for %parallel_loop3A_212 = %parallel_loop3A_101 to %parallel_loop3A_102 step %parallel_loop3A_103  : i32 {
      %parallel_loop3A_213 = arith.constant 128 : i32
      %parallel_loop3A_214 = arith.addi %parallel_loop3A_213, %parallel_loop3A_212 : i32
      %parallel_loop3A_215 = arith.index_cast %parallel_loop3A_214 : i32 to index
      %parallel_loop3A_216 = arith.constant 0 : index
      %parallel_loop3A_217 = tpu.vector_load %arg8[%parallel_loop3A_215, %parallel_loop3A_216] {strides = array<i32>} : memref<512x64xf32, #tpu.memory_space<vmem>>, vector<16xf32>,
      %parallel_loop3A_218 = arith.constant 1 : i32
      %parallel_loop3A_219 = arith.index_cast %parallel_loop3A_218 : i32 to index
      %parallel_loop3A_220 = arith.index_cast %parallel_loop3A_212 : i32 to index
      %parallel_loop3A_221 = arith.constant 0 : index
      %parallel_loop3A_222 = tpu.vector_load %arg7[%parallel_loop3A_219, %parallel_loop3A_220, %parallel_loop3A_221] {strides = array<i32>} : memref<3x128x128xf32, #tpu.memory_space<vmem>>, vector<16xf32>,
      %parallel_loop3A_223 = arith.subf %parallel_loop3A_217, %parallel_loop3A_222 : vector<16xf32>
      %parallel_loop3A_224 = arith.index_cast %parallel_loop3A_214 : i32 to index
      %parallel_loop3A_225 = arith.constant 0 : index
      %parallel_loop3A_226 = tpu.vector_load %arg8[%parallel_loop3A_224, %parallel_loop3A_225] {strides = array<i32>} : memref<512x64xf32, #tpu.memory_space<vmem>>, vector<16xf32>,
      tpu.vector_store %arg8[%parallel_loop3A_224, %parallel_loop3A_225], %parallel_loop3A_223 {strides = array<i32>} : memref<512x64xf32, #tpu.memory_space<vmem>>, vector<16xf32>,
      %parallel_loop3A_227 = arith.index_cast %parallel_loop3A_214 : i32 to index
      %parallel_loop3A_228 = arith.constant 16 : index
      %parallel_loop3A_229 = tpu.vector_load %arg8[%parallel_loop3A_227, %parallel_loop3A_228] {strides = array<i32>} : memref<512x64xf32, #tpu.memory_space<vmem>>, vector<16xf32>,
      %parallel_loop3A_230 = arith.constant 1 : i32
      %parallel_loop3A_231 = arith.index_cast %parallel_loop3A_230 : i32 to index
      %parallel_loop3A_232 = arith.index_cast %parallel_loop3A_212 : i32 to index
      %parallel_loop3A_233 = arith.constant 16 : index
      %parallel_loop3A_234 = tpu.vector_load %arg7[%parallel_loop3A_231, %parallel_loop3A_232, %parallel_loop3A_233] {strides = array<i32>} : memref<3x128x128xf32, #tpu.memory_space<vmem>>, vector<16xf32>,
      %parallel_loop3A_235 = arith.subf %parallel_loop3A_229, %parallel_loop3A_234 : vector<16xf32>
      %parallel_loop3A_236 = arith.index_cast %parallel_loop3A_214 : i32 to index
      %parallel_loop3A_237 = arith.constant 16 : index
      %parallel_loop3A_238 = tpu.vector_load %arg8[%parallel_loop3A_236, %parallel_loop3A_237] {strides = array<i32>} : memref<512x64xf32, #tpu.memory_space<vmem>>, vector<16xf32>,
      tpu.vector_store %arg8[%parallel_loop3A_236, %parallel_loop3A_237], %parallel_loop3A_235 {strides = array<i32>} : memref<512x64xf32, #tpu.memory_space<vmem>>, vector<16xf32>,
      %parallel_loop3A_239 = arith.index_cast %parallel_loop3A_214 : i32 to index
      %parallel_loop3A_240 = arith.constant 32 : index
      %parallel_loop3A_241 = tpu.vector_load %arg8[%parallel_loop3A_239, %parallel_loop3A_240] {strides = array<i32>} : memref<512x64xf32, #tpu.memory_space<vmem>>, vector<16xf32>,
      %parallel_loop3A_242 = arith.constant 1 : i32
      %parallel_loop3A_243 = arith.index_cast %parallel_loop3A_242 : i32 to index
      %parallel_loop3A_244 = arith.index_cast %parallel_loop3A_212 : i32 to index
      %parallel_loop3A_245 = arith.constant 32 : index
      %parallel_loop3A_246 = tpu.vector_load %arg7[%parallel_loop3A_243, %parallel_loop3A_244, %parallel_loop3A_245] {strides = array<i32>} : memref<3x128x128xf32, #tpu.memory_space<vmem>>, vector<16xf32>,
      %parallel_loop3A_247 = arith.subf %parallel_loop3A_241, %parallel_loop3A_246 : vector<16xf32>
      %parallel_loop3A_248 = arith.index_cast %parallel_loop3A_214 : i32 to index
      %parallel_loop3A_249 = arith.constant 32 : index
      %parallel_loop3A_250 = tpu.vector_load %arg8[%parallel_loop3A_248, %parallel_loop3A_249] {strides = array<i32>} : memref<512x64xf32, #tpu.memory_space<vmem>>, vector<16xf32>,
      tpu.vector_store %arg8[%parallel_loop3A_248, %parallel_loop3A_249], %parallel_loop3A_247 {strides = array<i32>} : memref<512x64xf32, #tpu.memory_space<vmem>>, vector<16xf32>,
      %parallel_loop3A_251 = arith.index_cast %parallel_loop3A_214 : i32 to index
      %parallel_loop3A_252 = arith.constant 48 : index
      %parallel_loop3A_253 = tpu.vector_load %arg8[%parallel_loop3A_251, %parallel_loop3A_252] {strides = array<i32>} : memref<512x64xf32, #tpu.memory_space<vmem>>, vector<16xf32>,
      %parallel_loop3A_254 = arith.constant 1 : i32
      %parallel_loop3A_255 = arith.index_cast %parallel_loop3A_254 : i32 to index
      %parallel_loop3A_256 = arith.index_cast %parallel_loop3A_212 : i32 to index
      %parallel_loop3A_257 = arith.constant 48 : index
      %parallel_loop3A_258 = tpu.vector_load %arg7[%parallel_loop3A_255, %parallel_loop3A_256, %parallel_loop3A_257] {strides = array<i32>} : memref<3x128x128xf32, #tpu.memory_space<vmem>>, vector<16xf32>,
      %parallel_loop3A_259 = arith.subf %parallel_loop3A_253, %parallel_loop3A_258 : vector<16xf32>
      %parallel_loop3A_260 = arith.index_cast %parallel_loop3A_214 : i32 to index
      %parallel_loop3A_261 = arith.constant 48 : index
      %parallel_loop3A_262 = tpu.vector_load %arg8[%parallel_loop3A_260, %parallel_loop3A_261] {strides = array<i32>} : memref<512x64xf32, #tpu.memory_space<vmem>>, vector<16xf32>,
      tpu.vector_store %arg8[%parallel_loop3A_260, %parallel_loop3A_261], %parallel_loop3A_259 {strides = array<i32>} : memref<512x64xf32, #tpu.memory_space<vmem>>, vector<16xf32>,
    } {sc.loop_unroll_factor = 8 : i64, sc.parallel_access}
    %add3A_104 = arith.constant 128 : i32
    %add3A_105 = arith.addi %mul3A_2, %add3A_104 : i32
    %dma_start3A_106 = arith.constant 128 : i32
    %dma_start3A_107 = arith.constant 0 : i32
    %dma_start3A_108 = tpu.memref_slice %arg8[%dma_start3A_106, %dma_start3A_107] : memref<512x64xf32, #tpu.memory_space<vmem>> -> memref<128x64xf32, #tpu.memory_space<vmem>>
    %dma_start3A_109 = arith.constant 0 : i32
    %dma_start3A_110 = tpu.memref_slice %arg5[%add3A_105, %dma_start3A_109] : memref<16384x64xf32, #tpu.memory_space<hbm>> -> memref<128x64xf32, #tpu.memory_space<hbm>>
    %dma_start3A_111 = arith.constant 0 : i32
    %dma_start3A_112 = tpu.memref_slice %arg5[%add3A_105, %dma_start3A_111] : memref<16384x64xf32, #tpu.memory_space<hbm>> -> memref<128x64xf32, #tpu.memory_space<hbm>>
    %dma_start3A_113 = arith.constant 128 : i32
    %dma_start3A_114 = arith.constant 0 : i32
    %dma_start3A_115 = tpu.memref_slice %arg8[%dma_start3A_113, %dma_start3A_114] : memref<512x64xf32, #tpu.memory_space<vmem>> -> memref<128x64xf32, #tpu.memory_space<vmem>>
    tpu.enqueue_dma source(%dma_start3A_115 : memref<128x64xf32, #tpu.memory_space<vmem>>) target(%dma_start3A_112 : memref<128x64xf32, #tpu.memory_space<hbm>>) target_semaphore(%arg11 : memref<!tpu.dma_semaphore, #tpu.memory_space<semaphore_mem>>)
    %dma_wait3A_116 = arith.constant 2 : i32
    %dma_wait3A_117 = arith.constant 2 : i32
    %dma_wait3A_118 = arith.constant 0 : i32
    %dma_wait3A_119 = arith.constant 0 : i32
    %dma_wait3A_120 = tpu.memref_slice %arg7[%dma_wait3A_116, %dma_wait3A_118, %dma_wait3A_119] : memref<3x128x128xf32, #tpu.memory_space<vmem>> -> memref<1x128x128xf32, #tpu.memory_space<vmem>>
    %dma_wait3A_121 = tpu.memref_squeeze %dma_wait3A_120 : memref<1x128x128xf32, #tpu.memory_space<vmem>> -> memref<128x128xf32, #tpu.memory_space<vmem>>
    %dma_wait3A_122 = arith.constant 256 : i32
    %dma_wait3A_123 = tpu.memref_slice %arg6[%dma_wait3A_122] : memref<512xi32, #tpu.memory_space<vmem>> -> memref<128xi32, #tpu.memory_space<vmem>>
    %dma_wait3A_124 = arith.constant 0 : i32
    %dma_wait3A_125 = arith.constant 0 : i32
    %dma_wait3A_126 = tpu.memref_slice %arg4[%dma_wait3A_124, %dma_wait3A_125] : memref<1000x128xf32, #tpu.memory_space<hbm>> -> memref<1000x128xf32, #tpu.memory_space<hbm>>
    %dma_wait3A_127 = tpu.memref_slice %arg10[%dma_wait3A_117] : memref<3x!tpu.dma_semaphore, #tpu.memory_space<semaphore_mem>> -> memref<1x!tpu.dma_semaphore, #tpu.memory_space<semaphore_mem>>
    %dma_wait3A_128 = tpu.memref_squeeze %dma_wait3A_127 : memref<1x!tpu.dma_semaphore, #tpu.memory_space<semaphore_mem>> -> memref<!tpu.dma_semaphore, #tpu.memory_space<semaphore_mem>>
    tpu.wait_indirect_dma semaphore(%dma_wait3A_128 : memref<!tpu.dma_semaphore, #tpu.memory_space<semaphore_mem>>) src(%dma_wait3A_126 : memref<1000x128xf32, #tpu.memory_space<hbm>>) dst(%dma_wait3A_121 : memref<128x128xf32, #tpu.memory_space<vmem>>)
    %parallel_loop3A_129 = arith.constant 0 : i32
    %parallel_loop3A_130 = arith.constant 128 : i32
    %parallel_loop3A_131 = arith.constant 1 : i32
    scf.for %parallel_loop3A_212 = %parallel_loop3A_129 to %parallel_loop3A_130 step %parallel_loop3A_131  : i32 {
      %parallel_loop3A_213 = arith.constant 256 : i32
      %parallel_loop3A_214 = arith.addi %parallel_loop3A_213, %parallel_loop3A_212 : i32
      %parallel_loop3A_215 = arith.index_cast %parallel_loop3A_214 : i32 to index
      %parallel_loop3A_216 = arith.constant 0 : index
      %parallel_loop3A_217 = tpu.vector_load %arg8[%parallel_loop3A_215, %parallel_loop3A_216] {strides = array<i32>} : memref<512x64xf32, #tpu.memory_space<vmem>>, vector<16xf32>,
      %parallel_loop3A_218 = arith.constant 2 : i32
      %parallel_loop3A_219 = arith.index_cast %parallel_loop3A_218 : i32 to index
      %parallel_loop3A_220 = arith.index_cast %parallel_loop3A_212 : i32 to index
      %parallel_loop3A_221 = arith.constant 0 : index
      %parallel_loop3A_222 = tpu.vector_load %arg7[%parallel_loop3A_219, %parallel_loop3A_220, %parallel_loop3A_221] {strides = array<i32>} : memref<3x128x128xf32, #tpu.memory_space<vmem>>, vector<16xf32>,
      %parallel_loop3A_223 = arith.subf %parallel_loop3A_217, %parallel_loop3A_222 : vector<16xf32>
      %parallel_loop3A_224 = arith.index_cast %parallel_loop3A_214 : i32 to index
      %parallel_loop3A_225 = arith.constant 0 : index
      %parallel_loop3A_226 = tpu.vector_load %arg8[%parallel_loop3A_224, %parallel_loop3A_225] {strides = array<i32>} : memref<512x64xf32, #tpu.memory_space<vmem>>, vector<16xf32>,
      tpu.vector_store %arg8[%parallel_loop3A_224, %parallel_loop3A_225], %parallel_loop3A_223 {strides = array<i32>} : memref<512x64xf32, #tpu.memory_space<vmem>>, vector<16xf32>,
      %parallel_loop3A_227 = arith.index_cast %parallel_loop3A_214 : i32 to index
      %parallel_loop3A_228 = arith.constant 16 : index
      %parallel_loop3A_229 = tpu.vector_load %arg8[%parallel_loop3A_227, %parallel_loop3A_228] {strides = array<i32>} : memref<512x64xf32, #tpu.memory_space<vmem>>, vector<16xf32>,
      %parallel_loop3A_230 = arith.constant 2 : i32
      %parallel_loop3A_231 = arith.index_cast %parallel_loop3A_230 : i32 to index
      %parallel_loop3A_232 = arith.index_cast %parallel_loop3A_212 : i32 to index
      %parallel_loop3A_233 = arith.constant 16 : index
      %parallel_loop3A_234 = tpu.vector_load %arg7[%parallel_loop3A_231, %parallel_loop3A_232, %parallel_loop3A_233] {strides = array<i32>} : memref<3x128x128xf32, #tpu.memory_space<vmem>>, vector<16xf32>,
      %parallel_loop3A_235 = arith.subf %parallel_loop3A_229, %parallel_loop3A_234 : vector<16xf32>
      %parallel_loop3A_236 = arith.index_cast %parallel_loop3A_214 : i32 to index
      %parallel_loop3A_237 = arith.constant 16 : index
      %parallel_loop3A_238 = tpu.vector_load %arg8[%parallel_loop3A_236, %parallel_loop3A_237] {strides = array<i32>} : memref<512x64xf32, #tpu.memory_space<vmem>>, vector<16xf32>,
      tpu.vector_store %arg8[%parallel_loop3A_236, %parallel_loop3A_237], %parallel_loop3A_235 {strides = array<i32>} : memref<512x64xf32, #tpu.memory_space<vmem>>, vector<16xf32>,
      %parallel_loop3A_239 = arith.index_cast %parallel_loop3A_214 : i32 to index
      %parallel_loop3A_240 = arith.constant 32 : index
      %parallel_loop3A_241 = tpu.vector_load %arg8[%parallel_loop3A_239, %parallel_loop3A_240] {strides = array<i32>} : memref<512x64xf32, #tpu.memory_space<vmem>>, vector<16xf32>,
      %parallel_loop3A_242 = arith.constant 2 : i32
      %parallel_loop3A_243 = arith.index_cast %parallel_loop3A_242 : i32 to index
      %parallel_loop3A_244 = arith.index_cast %parallel_loop3A_212 : i32 to index
      %parallel_loop3A_245 = arith.constant 32 : index
      %parallel_loop3A_246 = tpu.vector_load %arg7[%parallel_loop3A_243, %parallel_loop3A_244, %parallel_loop3A_245] {strides = array<i32>} : memref<3x128x128xf32, #tpu.memory_space<vmem>>, vector<16xf32>,
      %parallel_loop3A_247 = arith.subf %parallel_loop3A_241, %parallel_loop3A_246 : vector<16xf32>
      %parallel_loop3A_248 = arith.index_cast %parallel_loop3A_214 : i32 to index
      %parallel_loop3A_249 = arith.constant 32 : index
      %parallel_loop3A_250 = tpu.vector_load %arg8[%parallel_loop3A_248, %parallel_loop3A_249] {strides = array<i32>} : memref<512x64xf32, #tpu.memory_space<vmem>>, vector<16xf32>,
      tpu.vector_store %arg8[%parallel_loop3A_248, %parallel_loop3A_249], %parallel_loop3A_247 {strides = array<i32>} : memref<512x64xf32, #tpu.memory_space<vmem>>, vector<16xf32>,
      %parallel_loop3A_251 = arith.index_cast %parallel_loop3A_214 : i32 to index
      %parallel_loop3A_252 = arith.constant 48 : index
      %parallel_loop3A_253 = tpu.vector_load %arg8[%parallel_loop3A_251, %parallel_loop3A_252] {strides = array<i32>} : memref<512x64xf32, #tpu.memory_space<vmem>>, vector<16xf32>,
      %parallel_loop3A_254 = arith.constant 2 : i32
      %parallel_loop3A_255 = arith.index_cast %parallel_loop3A_254 : i32 to index
      %parallel_loop3A_256 = arith.index_cast %parallel_loop3A_212 : i32 to index
      %parallel_loop3A_257 = arith.constant 48 : index
      %parallel_loop3A_258 = tpu.vector_load %arg7[%parallel_loop3A_255, %parallel_loop3A_256, %parallel_loop3A_257] {strides = array<i32>} : memref<3x128x128xf32, #tpu.memory_space<vmem>>, vector<16xf32>,
      %parallel_loop3A_259 = arith.subf %parallel_loop3A_253, %parallel_loop3A_258 : vector<16xf32>
      %parallel_loop3A_260 = arith.index_cast %parallel_loop3A_214 : i32 to index
      %parallel_loop3A_261 = arith.constant 48 : index
      %parallel_loop3A_262 = tpu.vector_load %arg8[%parallel_loop3A_260, %parallel_loop3A_261] {strides = array<i32>} : memref<512x64xf32, #tpu.memory_space<vmem>>, vector<16xf32>,
      tpu.vector_store %arg8[%parallel_loop3A_260, %parallel_loop3A_261], %parallel_loop3A_259 {strides = array<i32>} : memref<512x64xf32, #tpu.memory_space<vmem>>, vector<16xf32>,
    } {sc.loop_unroll_factor = 8 : i64, sc.parallel_access}
    %add3A_132 = arith.constant 256 : i32
    %add3A_133 = arith.addi %mul3A_2, %add3A_132 : i32
    %dma_start3A_134 = arith.constant 256 : i32
    %dma_start3A_135 = arith.constant 0 : i32
    %dma_start3A_136 = tpu.memref_slice %arg8[%dma_start3A_134, %dma_start3A_135] : memref<512x64xf32, #tpu.memory_space<vmem>> -> memref<128x64xf32, #tpu.memory_space<vmem>>
    %dma_start3A_137 = arith.constant 0 : i32
    %dma_start3A_138 = tpu.memref_slice %arg5[%add3A_133, %dma_start3A_137] : memref<16384x64xf32, #tpu.memory_space<hbm>> -> memref<128x64xf32, #tpu.memory_space<hbm>>
    %dma_start3A_139 = arith.constant 0 : i32
    %dma_start3A_140 = tpu.memref_slice %arg5[%add3A_133, %dma_start3A_139] : memref<16384x64xf32, #tpu.memory_space<hbm>> -> memref<128x64xf32, #tpu.memory_space<hbm>>
    %dma_start3A_141 = arith.constant 256 : i32
    %dma_start3A_142 = arith.constant 0 : i32
    %dma_start3A_143 = tpu.memref_slice %arg8[%dma_start3A_141, %dma_start3A_142] : memref<512x64xf32, #tpu.memory_space<vmem>> -> memref<128x64xf32, #tpu.memory_space<vmem>>
    tpu.enqueue_dma source(%dma_start3A_143 : memref<128x64xf32, #tpu.memory_space<vmem>>) target(%dma_start3A_140 : memref<128x64xf32, #tpu.memory_space<hbm>>) target_semaphore(%arg11 : memref<!tpu.dma_semaphore, #tpu.memory_space<semaphore_mem>>)
    %dma_wait3A_144 = arith.constant 0 : i32
    %dma_wait3A_145 = arith.constant 0 : i32
    %dma_wait3A_146 = arith.constant 0 : i32
    %dma_wait3A_147 = arith.constant 0 : i32
    %dma_wait3A_148 = tpu.memref_slice %arg7[%dma_wait3A_144, %dma_wait3A_146, %dma_wait3A_147] : memref<3x128x128xf32, #tpu.memory_space<vmem>> -> memref<1x128x128xf32, #tpu.memory_space<vmem>>
    %dma_wait3A_149 = tpu.memref_squeeze %dma_wait3A_148 : memref<1x128x128xf32, #tpu.memory_space<vmem>> -> memref<128x128xf32, #tpu.memory_space<vmem>>
    %dma_wait3A_150 = arith.constant 384 : i32
    %dma_wait3A_151 = tpu.memref_slice %arg6[%dma_wait3A_150] : memref<512xi32, #tpu.memory_space<vmem>> -> memref<128xi32, #tpu.memory_space<vmem>>
    %dma_wait3A_152 = arith.constant 0 : i32
    %dma_wait3A_153 = arith.constant 0 : i32
    %dma_wait3A_154 = tpu.memref_slice %arg4[%dma_wait3A_152, %dma_wait3A_153] : memref<1000x128xf32, #tpu.memory_space<hbm>> -> memref<1000x128xf32, #tpu.memory_space<hbm>>
    %dma_wait3A_155 = tpu.memref_slice %arg10[%dma_wait3A_145] : memref<3x!tpu.dma_semaphore, #tpu.memory_space<semaphore_mem>> -> memref<1x!tpu.dma_semaphore, #tpu.memory_space<semaphore_mem>>
    %dma_wait3A_156 = tpu.memref_squeeze %dma_wait3A_155 : memref<1x!tpu.dma_semaphore, #tpu.memory_space<semaphore_mem>> -> memref<!tpu.dma_semaphore, #tpu.memory_space<semaphore_mem>>
    tpu.wait_indirect_dma semaphore(%dma_wait3A_156 : memref<!tpu.dma_semaphore, #tpu.memory_space<semaphore_mem>>) src(%dma_wait3A_154 : memref<1000x128xf32, #tpu.memory_space<hbm>>) dst(%dma_wait3A_149 : memref<128x128xf32, #tpu.memory_space<vmem>>)
    %parallel_loop3A_157 = arith.constant 0 : i32
    %parallel_loop3A_158 = arith.constant 128 : i32
    %parallel_loop3A_159 = arith.constant 1 : i32
    scf.for %parallel_loop3A_212 = %parallel_loop3A_157 to %parallel_loop3A_158 step %parallel_loop3A_159  : i32 {
      %parallel_loop3A_213 = arith.constant 384 : i32
      %parallel_loop3A_214 = arith.addi %parallel_loop3A_213, %parallel_loop3A_212 : i32
      %parallel_loop3A_215 = arith.index_cast %parallel_loop3A_214 : i32 to index
      %parallel_loop3A_216 = arith.constant 0 : index
      %parallel_loop3A_217 = tpu.vector_load %arg8[%parallel_loop3A_215, %parallel_loop3A_216] {strides = array<i32>} : memref<512x64xf32, #tpu.memory_space<vmem>>, vector<16xf32>,
      %parallel_loop3A_218 = arith.constant 0 : i32
      %parallel_loop3A_219 = arith.index_cast %parallel_loop3A_218 : i32 to index
      %parallel_loop3A_220 = arith.index_cast %parallel_loop3A_212 : i32 to index
      %parallel_loop3A_221 = arith.constant 0 : index
      %parallel_loop3A_222 = tpu.vector_load %arg7[%parallel_loop3A_219, %parallel_loop3A_220, %parallel_loop3A_221] {strides = array<i32>} : memref<3x128x128xf32, #tpu.memory_space<vmem>>, vector<16xf32>,
      %parallel_loop3A_223 = arith.subf %parallel_loop3A_217, %parallel_loop3A_222 : vector<16xf32>
      %parallel_loop3A_224 = arith.index_cast %parallel_loop3A_214 : i32 to index
      %parallel_loop3A_225 = arith.constant 0 : index
      %parallel_loop3A_226 = tpu.vector_load %arg8[%parallel_loop3A_224, %parallel_loop3A_225] {strides = array<i32>} : memref<512x64xf32, #tpu.memory_space<vmem>>, vector<16xf32>,
      tpu.vector_store %arg8[%parallel_loop3A_224, %parallel_loop3A_225], %parallel_loop3A_223 {strides = array<i32>} : memref<512x64xf32, #tpu.memory_space<vmem>>, vector<16xf32>,
      %parallel_loop3A_227 = arith.index_cast %parallel_loop3A_214 : i32 to index
      %parallel_loop3A_228 = arith.constant 16 : index
      %parallel_loop3A_229 = tpu.vector_load %arg8[%parallel_loop3A_227, %parallel_loop3A_228] {strides = array<i32>} : memref<512x64xf32, #tpu.memory_space<vmem>>, vector<16xf32>,
      %parallel_loop3A_230 = arith.constant 0 : i32
      %parallel_loop3A_231 = arith.index_cast %parallel_loop3A_230 : i32 to index
      %parallel_loop3A_232 = arith.index_cast %parallel_loop3A_212 : i32 to index
      %parallel_loop3A_233 = arith.constant 16 : index
      %parallel_loop3A_234 = tpu.vector_load %arg7[%parallel_loop3A_231, %parallel_loop3A_232, %parallel_loop3A_233] {strides = array<i32>} : memref<3x128x128xf32, #tpu.memory_space<vmem>>, vector<16xf32>,
      %parallel_loop3A_235 = arith.subf %parallel_loop3A_229, %parallel_loop3A_234 : vector<16xf32>
      %parallel_loop3A_236 = arith.index_cast %parallel_loop3A_214 : i32 to index
      %parallel_loop3A_237 = arith.constant 16 : index
      %parallel_loop3A_238 = tpu.vector_load %arg8[%parallel_loop3A_236, %parallel_loop3A_237] {strides = array<i32>} : memref<512x64xf32, #tpu.memory_space<vmem>>, vector<16xf32>,
      tpu.vector_store %arg8[%parallel_loop3A_236, %parallel_loop3A_237], %parallel_loop3A_235 {strides = array<i32>} : memref<512x64xf32, #tpu.memory_space<vmem>>, vector<16xf32>,
      %parallel_loop3A_239 = arith.index_cast %parallel_loop3A_214 : i32 to index
      %parallel_loop3A_240 = arith.constant 32 : index
      %parallel_loop3A_241 = tpu.vector_load %arg8[%parallel_loop3A_239, %parallel_loop3A_240] {strides = array<i32>} : memref<512x64xf32, #tpu.memory_space<vmem>>, vector<16xf32>,
      %parallel_loop3A_242 = arith.constant 0 : i32
      %parallel_loop3A_243 = arith.index_cast %parallel_loop3A_242 : i32 to index
      %parallel_loop3A_244 = arith.index_cast %parallel_loop3A_212 : i32 to index
      %parallel_loop3A_245 = arith.constant 32 : index
      %parallel_loop3A_246 = tpu.vector_load %arg7[%parallel_loop3A_243, %parallel_loop3A_244, %parallel_loop3A_245] {strides = array<i32>} : memref<3x128x128xf32, #tpu.memory_space<vmem>>, vector<16xf32>,
      %parallel_loop3A_247 = arith.subf %parallel_loop3A_241, %parallel_loop3A_246 : vector<16xf32>
      %parallel_loop3A_248 = arith.index_cast %parallel_loop3A_214 : i32 to index
      %parallel_loop3A_249 = arith.constant 32 : index
      %parallel_loop3A_250 = tpu.vector_load %arg8[%parallel_loop3A_248, %parallel_loop3A_249] {strides = array<i32>} : memref<512x64xf32, #tpu.memory_space<vmem>>, vector<16xf32>,
      tpu.vector_store %arg8[%parallel_loop3A_248, %parallel_loop3A_249], %parallel_loop3A_247 {strides = array<i32>} : memref<512x64xf32, #tpu.memory_space<vmem>>, vector<16xf32>,
      %parallel_loop3A_251 = arith.index_cast %parallel_loop3A_214 : i32 to index
      %parallel_loop3A_252 = arith.constant 48 : index
      %parallel_loop3A_253 = tpu.vector_load %arg8[%parallel_loop3A_251, %parallel_loop3A_252] {strides = array<i32>} : memref<512x64xf32, #tpu.memory_space<vmem>>, vector<16xf32>,
      %parallel_loop3A_254 = arith.constant 0 : i32
      %parallel_loop3A_255 = arith.index_cast %parallel_loop3A_254 : i32 to index
      %parallel_loop3A_256 = arith.index_cast %parallel_loop3A_212 : i32 to index
      %parallel_loop3A_257 = arith.constant 48 : index
      %parallel_loop3A_258 = tpu.vector_load %arg7[%parallel_loop3A_255, %parallel_loop3A_256, %parallel_loop3A_257] {strides = array<i32>} : memref<3x128x128xf32, #tpu.memory_space<vmem>>, vector<16xf32>,
      %parallel_loop3A_259 = arith.subf %parallel_loop3A_253, %parallel_loop3A_258 : vector<16xf32>
      %parallel_loop3A_260 = arith.index_cast %parallel_loop3A_214 : i32 to index
      %parallel_loop3A_261 = arith.constant 48 : index
      %parallel_loop3A_262 = tpu.vector_load %arg8[%parallel_loop3A_260, %parallel_loop3A_261] {strides = array<i32>} : memref<512x64xf32, #tpu.memory_space<vmem>>, vector<16xf32>,
      tpu.vector_store %arg8[%parallel_loop3A_260, %parallel_loop3A_261], %parallel_loop3A_259 {strides = array<i32>} : memref<512x64xf32, #tpu.memory_space<vmem>>, vector<16xf32>,
    } {sc.loop_unroll_factor = 8 : i64, sc.parallel_access}
    %add3A_160 = arith.constant 384 : i32
    %add3A_161 = arith.addi %mul3A_2, %add3A_160 : i32
    %dma_start3A_162 = arith.constant 384 : i32
    %dma_start3A_163 = arith.constant 0 : i32
    %dma_start3A_164 = tpu.memref_slice %arg8[%dma_start3A_162, %dma_start3A_163] : memref<512x64xf32, #tpu.memory_space<vmem>> -> memref<128x64xf32, #tpu.memory_space<vmem>>
    %dma_start3A_165 = arith.constant 0 : i32
    %dma_start3A_166 = tpu.memref_slice %arg5[%add3A_161, %dma_start3A_165] : memref<16384x64xf32, #tpu.memory_space<hbm>> -> memref<128x64xf32, #tpu.memory_space<hbm>>
    %dma_start3A_167 = arith.constant 0 : i32
    %dma_start3A_168 = tpu.memref_slice %arg5[%add3A_161, %dma_start3A_167] : memref<16384x64xf32, #tpu.memory_space<hbm>> -> memref<128x64xf32, #tpu.memory_space<hbm>>
    %dma_start3A_169 = arith.constant 384 : i32
    %dma_start3A_170 = arith.constant 0 : i32
    %dma_start3A_171 = tpu.memref_slice %arg8[%dma_start3A_169, %dma_start3A_170] : memref<512x64xf32, #tpu.memory_space<vmem>> -> memref<128x64xf32, #tpu.memory_space<vmem>>
    tpu.enqueue_dma source(%dma_start3A_171 : memref<128x64xf32, #tpu.memory_space<vmem>>) target(%dma_start3A_168 : memref<128x64xf32, #tpu.memory_space<hbm>>) target_semaphore(%arg11 : memref<!tpu.dma_semaphore, #tpu.memory_space<semaphore_mem>>)
    %dma_wait3A_172 = arith.constant 0 : i32
    %dma_wait3A_173 = arith.constant 0 : i32
    %dma_wait3A_174 = tpu.memref_slice %arg8[%dma_wait3A_172, %dma_wait3A_173] : memref<512x64xf32, #tpu.memory_space<vmem>> -> memref<128x64xf32, #tpu.memory_space<vmem>>
    %dma_wait3A_175 = arith.constant 0 : i32
    %dma_wait3A_176 = tpu.memref_slice %arg5[%add3A_64, %dma_wait3A_175] : memref<16384x64xf32, #tpu.memory_space<hbm>> -> memref<128x64xf32, #tpu.memory_space<hbm>>
    %dma_wait3A_177 = arith.constant 0 : i32
    %dma_wait3A_178 = tpu.memref_slice %arg5[%add3A_64, %dma_wait3A_177] : memref<16384x64xf32, #tpu.memory_space<hbm>> -> memref<128x64xf32, #tpu.memory_space<hbm>>
    %dma_wait3A_179 = arith.constant 0 : i32
    %dma_wait3A_180 = arith.constant 0 : i32
    %dma_wait3A_181 = tpu.memref_slice %arg8[%dma_wait3A_179, %dma_wait3A_180] : memref<512x64xf32, #tpu.memory_space<vmem>> -> memref<128x64xf32, #tpu.memory_space<vmem>>
    tpu.wait_dma2 semaphore(%arg11 : memref<!tpu.dma_semaphore, #tpu.memory_space<semaphore_mem>>) src(%dma_wait3A_181 : memref<128x64xf32, #tpu.memory_space<vmem>>) dst(%dma_wait3A_178 : memref<128x64xf32, #tpu.memory_space<hbm>>)
    %dma_wait3A_182 = arith.constant 128 : i32
    %dma_wait3A_183 = arith.constant 0 : i32
    %dma_wait3A_184 = tpu.memref_slice %arg8[%dma_wait3A_182, %dma_wait3A_183] : memref<512x64xf32, #tpu.memory_space<vmem>> -> memref<128x64xf32, #tpu.memory_space<vmem>>
    %dma_wait3A_185 = arith.constant 0 : i32
    %dma_wait3A_186 = tpu.memref_slice %arg5[%add3A_105, %dma_wait3A_185] : memref<16384x64xf32, #tpu.memory_space<hbm>> -> memref<128x64xf32, #tpu.memory_space<hbm>>
    %dma_wait3A_187 = arith.constant 0 : i32
    %dma_wait3A_188 = tpu.memref_slice %arg5[%add3A_105, %dma_wait3A_187] : memref<16384x64xf32, #tpu.memory_space<hbm>> -> memref<128x64xf32, #tpu.memory_space<hbm>>
    %dma_wait3A_189 = arith.constant 128 : i32
    %dma_wait3A_190 = arith.constant 0 : i32
    %dma_wait3A_191 = tpu.memref_slice %arg8[%dma_wait3A_189, %dma_wait3A_190] : memref<512x64xf32, #tpu.memory_space<vmem>> -> memref<128x64xf32, #tpu.memory_space<vmem>>
    tpu.wait_dma2 semaphore(%arg11 : memref<!tpu.dma_semaphore, #tpu.memory_space<semaphore_mem>>) src(%dma_wait3A_191 : memref<128x64xf32, #tpu.memory_space<vmem>>) dst(%dma_wait3A_188 : memref<128x64xf32, #tpu.memory_space<hbm>>)
    %dma_wait3A_192 = arith.constant 256 : i32
    %dma_wait3A_193 = arith.constant 0 : i32
    %dma_wait3A_194 = tpu.memref_slice %arg8[%dma_wait3A_192, %dma_wait3A_193] : memref<512x64xf32, #tpu.memory_space<vmem>> -> memref<128x64xf32, #tpu.memory_space<vmem>>
    %dma_wait3A_195 = arith.constant 0 : i32
    %dma_wait3A_196 = tpu.memref_slice %arg5[%add3A_133, %dma_wait3A_195] : memref<16384x64xf32, #tpu.memory_space<hbm>> -> memref<128x64xf32, #tpu.memory_space<hbm>>
    %dma_wait3A_197 = arith.constant 0 : i32
    %dma_wait3A_198 = tpu.memref_slice %arg5[%add3A_133, %dma_wait3A_197] : memref<16384x64xf32, #tpu.memory_space<hbm>> -> memref<128x64xf32, #tpu.memory_space<hbm>>
    %dma_wait3A_199 = arith.constant 256 : i32
    %dma_wait3A_200 = arith.constant 0 : i32
    %dma_wait3A_201 = tpu.memref_slice %arg8[%dma_wait3A_199, %dma_wait3A_200] : memref<512x64xf32, #tpu.memory_space<vmem>> -> memref<128x64xf32, #tpu.memory_space<vmem>>
    tpu.wait_dma2 semaphore(%arg11 : memref<!tpu.dma_semaphore, #tpu.memory_space<semaphore_mem>>) src(%dma_wait3A_201 : memref<128x64xf32, #tpu.memory_space<vmem>>) dst(%dma_wait3A_198 : memref<128x64xf32, #tpu.memory_space<hbm>>)
    %dma_wait3A_202 = arith.constant 384 : i32
    %dma_wait3A_203 = arith.constant 0 : i32
    %dma_wait3A_204 = tpu.memref_slice %arg8[%dma_wait3A_202, %dma_wait3A_203] : memref<512x64xf32, #tpu.memory_space<vmem>> -> memref<128x64xf32, #tpu.memory_space<vmem>>
    %dma_wait3A_205 = arith.constant 0 : i32
    %dma_wait3A_206 = tpu.memref_slice %arg5[%add3A_161, %dma_wait3A_205] : memref<16384x64xf32, #tpu.memory_space<hbm>> -> memref<128x64xf32, #tpu.memory_space<hbm>>
    %dma_wait3A_207 = arith.constant 0 : i32
    %dma_wait3A_208 = tpu.memref_slice %arg5[%add3A_161, %dma_wait3A_207] : memref<16384x64xf32, #tpu.memory_space<hbm>> -> memref<128x64xf32, #tpu.memory_space<hbm>>
    %dma_wait3A_209 = arith.constant 384 : i32
    %dma_wait3A_210 = arith.constant 0 : i32
    %dma_wait3A_211 = tpu.memref_slice %arg8[%dma_wait3A_209, %dma_wait3A_210] : memref<512x64xf32, #tpu.memory_space<vmem>> -> memref<128x64xf32, #tpu.memory_space<vmem>>
    tpu.wait_dma2 semaphore(%arg11 : memref<!tpu.dma_semaphore, #tpu.memory_space<semaphore_mem>>) src(%dma_wait3A_211 : memref<128x64xf32, #tpu.memory_space<vmem>>) dst(%dma_wait3A_208 : memref<128x64xf32, #tpu.memory_space<hbm>>)
    return
  }
}

</mosaic_0001>

<sc_bundles>
// kernel: _batch_correct.3.cloned.1.call-start
scs
__scs_entry_jumppad:
0x0: {  	(pc) =	sbr.rel $0x88, $3  }
0x1: {  	(tag) =	ssettag $0x0;
	lr =	simm.s32 $0x1  }
0x2: {  	[smem:$0x3F9E] =	sst lr;
	_ =	strace $0xD0000000  }
0x3: {  	_ = 	snop  }
0x4: {  	_ = 	snop  }
0x5: {  	_ = 	snop  }
0x6: {  	_ = 	snop  }
0x7: {  	_ = 	snop  }
__scs_overlays_trampoline_lowered:
0x8: {  	[smem:$0x3FAD] =	sst s0  }
0x9: {  	[smem:$0x3FAE] =	sst s1  }
0xa: {  	[smem:$0x3FAF] =	sst s2  }
0xb: {  	[smem:$0x3FB0] =	sst s3  }
0xc: {  	[smem:$0x3FB1] =	sst s4  }
0xd: {  	[smem:$0x3FB2] =	sst s5  }
0xe: {  	[smem:$0x3FB3] =	sst s6  }
0xf: {  	[smem:$0x3FB4] =	sst s7  }
0x10: {  	[smem:$0x3FB5] =	sst s8  }
0x11: {  	[smem:$0x3FB6] =	sst s9;
	s0 =	simm.s32 @!p0 $0x0  }
0x12: {  	s1 =	sld [smem:$0x3F9C];
	s0 =	simm.s32 @p0 $0x1  }
0x13: {  	[smem:$0x3FB7] =	sst s0;
	s0 =	simm.s32 @!p1 $0x0  }
0x14: {  	s2 =	sld [smem:$0x3F9B];
	s0 =	simm.s32 @p1 $0x1  }
0x15: {  	[smem:$0x3FB8] =	sst s0;
	s0 =	simm.s32 @!p2 $0x0  }
0x16: {  	s3 =	sld [smem:$0x3FDB];
	s0 =	simm.s32 @p2 $0x1  }
0x17: {  	s4 =	simm.s32 $0x1BF5;
	[smem:$0x3FBA] =	sst s0  }
0x18: {  	s0 =	sld [smem:$0x3F9D];
	_ =	swait.ge [sflag:s4], $0x0  }
0x19: {  	s7 =	sld [smem:$0x3F9E]  }
0x1a: {  	s8 =	sadd.s32 $0xFFFFE003, lr  }
0x1b: {  	s9 =	sadd.s32 $0xFFFFFEF7, lr;
	s5 =	simm.s32 $0xFFFFFFFF;
	p2 =	slt.u32 s8, $0xFFFFF086  }
0x1c: {  	p1 =	slt.u32 s9, $0xF7A;
	s5 =	simm.s32 @!p2 $0x0  }
0x1d: {  	s5 =	simm.s32 @p1 $0x1;
	p0 =	seq.s32 s7, s2  }
0x1e: {  	s7 =	smul.u32 @!p0 $0xF7A, s2;
	p2 =	seq.s32 @!p0 s5, $0x0  }
0x1f: {  	s9 =	smul.u32 $0xF7A, s1;
	s8 =	simm.s32 @!p0 $0x1BF5;
	p2 =	por !p2, p0  }
0x20: {  	[sflag:s8] =	ssyncset.s32 @!p0 $0xFFFFF086;
	s6 =	sadd.s32 @!p0 s3, s7;
	s7 =	simm.s32 @!p0 $0x108  }
0x21: {  	s3 =	sadd.s32 s3, s9;
	s6 =	sadd.s32 @!p0 $0x88, s6;
	s7 =	simm.s32 @p2 $0x1082  }
0x22: {  	[simem:s7], [sflag:s8] =	dma.local @!p0 [hbm:s6], $0xF7A  }
0x23: {  	s9 =	sor.u32 $0xD0000000, s2;
	s6 =	simm.s32 $0x108;
	_ =	swait.ge @!p0 [sflag:s8], $0x0  }
0x24: {  	s3 =	sadd.s32 $0x88, s3;
	s6 =	simm.s32 @!p1 $0x1082;
	[sflag:s4] =	ssyncset.s32 $0xFFFFF086  }
0x25: {  	[simem:s6], [sflag:s4] =	dma.local [hbm:s3], $0xF7A  }
0x26: {  	[smem:$0x3F9E] =	sst s1;
	(tag) =	ssettag s2;
	_ =	strace s9  }
0x27: {  	s1 =	sld [smem:$0x3FAE]  }
0x28: {  	s2 =	sld [smem:$0x3FAF]  }
0x29: {  	s4 =	sld [smem:$0x3FB1]  }
0x2a: {  	p0 =	seq.s32 s5, $0x0;
	s5 =	sld [smem:$0x3FB2]  }
0x2b: {  	s6 =	sld [smem:$0x3FB3]  }
0x2c: {  	s7 =	sld [smem:$0x3FB4]  }
0x2d: {  	s3 =	simm.s32 $0x108;
	s8 =	sld [smem:$0x3FB5]  }
0x2e: {  	s3 =	simm.s32 @!p0 $0x1082;
	s9 =	sld [smem:$0x3FB6]  }
0x2f: {  	lr =	sadd.s32 s0, s3;
	s0 =	sld [smem:$0x3FAD]  }
0x30: {  	s3 =	sld [smem:$0x3FB0]  }
0x31: {  	[smem:$0x3FB9] =	sst s10  }
0x32: {  	s10 =	sld [smem:$0x3FB7];
	_ =	sdelay $0x3  }
0x33: {  	p0 =	seq.s32 s10, $0x1;
	s10 =	sld [smem:$0x3FB9];
	_ =	sdelay $0x3  }
0x34: {  	[smem:$0x3FB9] =	sst s10  }
0x35: {  	s10 =	sld [smem:$0x3FB8];
	_ =	sdelay $0x3  }
0x36: {  	p1 =	seq.s32 s10, $0x1;
	s10 =	sld [smem:$0x3FB9];
	_ =	sdelay $0x3  }
0x37: {  	[smem:$0x3FB9] =	sst s10  }
0x38: {  	s10 =	sld [smem:$0x3FBA]  }
0x39: {  	_ = 	snop;
	(pc) =	sbr.ind lr, $3  }
0x3a: {  	_ = 	snop  }
0x3b: {  	_ = 	snop  }
0x3c: {  	p2 =	seq.s32 s10, $0x1;
	s10 =	sld [smem:$0x3FB9]  }
0x3d: {  	_ =	shalt  }
0x3e: {  	_ =	shalt  }
0x3f: {  	_ =	shalt  }
0x40: {  	_ =	shalt  }
0x41: {  	_ =	shalt  }
0x42: {  	_ =	shalt  }
0x43: {  	_ =	shalt  }
0x44: {  	_ =	shalt  }
0x45: {  	_ =	shalt  }
0x46: {  	_ =	shalt  }
0x47: {  	_ =	shalt  }
0x48: {  	_ =	shalt  }
0x49: {  	_ =	shalt  }
0x4a: {  	_ =	shalt  }
0x4b: {  	_ =	shalt  }
0x4c: {  	_ =	shalt  }
0x4d: {  	_ =	shalt  }
0x4e: {  	_ =	shalt  }
0x4f: {  	_ =	shalt  }
0x50: {  	_ =	shalt  }
0x51: {  	_ =	shalt  }
0x52: {  	_ =	shalt  }
0x53: {  	_ =	shalt  }
0x54: {  	_ =	shalt  }
0x55: {  	_ =	shalt  }
0x56: {  	_ =	shalt  }
0x57: {  	_ =	shalt  }
0x58: {  	_ =	shalt  }
0x59: {  	_ =	shalt  }
0x5a: {  	_ =	shalt  }
0x5b: {  	_ =	shalt  }
0x5c: {  	_ =	shalt  }
0x5d: {  	_ =	shalt  }
0x5e: {  	_ =	shalt  }
0x5f: {  	_ =	shalt  }
0x60: {  	_ =	shalt  }
0x61: {  	_ =	shalt  }
0x62: {  	_ =	shalt  }
0x63: {  	_ =	shalt  }
0x64: {  	_ =	shalt  }
0x65: {  	_ =	shalt  }
0x66: {  	_ =	shalt  }
0x67: {  	_ =	shalt  }
0x68: {  	_ =	shalt  }
0x69: {  	_ =	shalt  }
0x6a: {  	_ =	shalt  }
0x6b: {  	_ =	shalt  }
0x6c: {  	_ =	shalt  }
0x6d: {  	_ =	shalt  }
0x6e: {  	_ =	shalt  }
0x6f: {  	_ =	shalt  }
0x70: {  	_ =	shalt  }
0x71: {  	_ =	shalt  }
0x72: {  	_ =	shalt  }
0x73: {  	_ =	shalt  }
0x74: {  	_ =	shalt  }
0x75: {  	_ =	shalt  }
0x76: {  	_ =	shalt  }
0x77: {  	_ =	shalt  }
0x78: {  	_ =	shalt  }
0x79: {  	_ =	shalt  }
0x7a: {  	_ =	shalt  }
0x7b: {  	_ =	shalt  }
0x7c: {  	_ =	shalt  }
0x7d: {  	_ =	shalt  }
0x7e: {  	_ =	shalt  }
0x7f: {  	_ =	shalt  }
0x80: {  	_ =	shalt  }
0x81: {  	_ =	shalt  }
0x82: {  	_ =	shalt  }
0x83: {  	_ =	shalt  }
0x84: {  	_ =	shalt  }
0x85: {  	_ =	shalt  }
0x86: {  	_ =	shalt  }
0x87: {  	_ =	shalt  }
.Lfunc_end0:
.L_simem_size_0:
called_computation_lowered:
.L_overlay_start_0:
0x88: {  	s2 =	sld [smem:$0x3FD9]  }
0x89: {  	s3 =	sld [smem:$0x3FFE];
	_ =	sdelay $0x1  }
0x8a: {  	s1 =	srdreg.scid  }
0x8b: {  	s0 =	sand.u32 $0x1, s1  }
0x8c: {  	s17 =	sshll.u32 s0, $0xA;
	s2 =	sadd.s32 s3, s2  }
0x8d: {  	s2 =	sadd.s32 s2, s17  }
0x8e: {  	[smem:$0x3FC5] =	sst s2  }
0x8f: {  	_ = 	snop  }
0x90: {  	s2 =	sld [smem:$0x3FC8]  }
0x91: {  	s18 =	sld [smem:$0x3FD0];
	(tm) =	ssettm $0x1  }
0x92: {  	s4 =	sld [smem:$0x3FFB];
	_ =	sdelay $0x3  }
0x93: {  	_ =	strace s4  }
0x94: {  	s4 =	sld [smem:$0x3FFC];
	_ =	sdelay $0x3  }
0x95: {  	_ =	strace s4  }
0x96: {  	s4 =	sld [smem:$0x3FFD];
	_ =	sdelay $0x3  }
0x97: {  	_ =	strace s4  }
0x98: {  	_ =	strace $0x8FFFFFFF  }
0x99: {  	s19 =	sld [smem:$0x3FDB];
	_ =	sdelay $0x1  }
0x9a: {  	s5 =	simm.s32 $_scs_section_size  }
0x9b: {  	s6 =	simm.s32 $_size__tile_overlayer_lowered;
	s7 =	simm.s32 $_tile_overlayer_lowered  }
0x9c: {  	s22 =	simm.s32 $0x1BFF;
	s21 =	sshll.u32 s7, $0x1;
	s4 =	sadd.s32 s5, s19  }
0x9d: {  	s8 =	simm.s32 $0x0;
	s20 =	sshll.u32 s6, $0x1;
	s6 =	sadd.s32 s21, s4  }
0x9e: {  	[timem:s8], [sflag:s22] =	dma.local [hbm:s6], s20  }
0x9f: {  	_ =	swait.ge [sflag:s22], s20  }
0xa0: {  	s5 =	ssub.s32 $0x0, s20;
	[sflag:s22] =	ssyncset.done $0x0  }
0xa1: {  	[sflag:s22] =	ssyncadd.s32 s5;
	_ =	sdelay $0x1  }
0xa2: {  	s23 =	simm.s32 $0x1B8B  }
0xa3: {  	_ =	swait.ge [sflag:s23], $0x1  }
0xa4: {  	[sflag:s23] =	ssyncset.done $0x0  }
0xa5: {  	s25 =	simm.s32 $0x1B8E;
	s24 =	sld [smem:$0x3FFE];
	[sflag:s23] =	ssyncadd.s32 $0xFFFFFFFF  }
0xa6: {  	s26 =	simm.s32 $execute0_lowered;
	[smem:$0x3FD2] =	sst s25  }
0xa7: {  	s6 =	sshll.u32 s26, $0x1;
	_ =	strace $0x80000046;
	[dreg:$0x1] =	wrdreg $0xFFFFFFFF  }
0xa8: {  	s28 =	simm.s32 $_size_execute0_lowered;
	s4 =	sadd.s32 s4, s6;
	[dreg:$0x0] =	wrdreg $0x0  }
0xa9: {  	s6 =	sshll.u32 s28, $0x1;
	[dreg:$0x2] =	wrdreg s4  }
0xaa: {  	[dreg:$0x3] =	wrdreg s6  }
0xab: {  	[dreg:$0x4] =	wrdreg $0xC0  }
0xac: {  	_ =	task [dreg:s8], $0x5FFFF  }
0xad: {  	[dreg:$0x1] =	wrdreg $0xFFFFFFFF  }
0xae: {  	[dreg:$0x0] =	wrdreg $0x60  }
0xaf: {  	[dreg:$0x2] =	wrdreg s24  }
0xb0: {  	[dreg:$0x3] =	wrdreg s2  }
0xb1: {  	[dreg:$0x4] =	wrdreg s18  }
0xb2: {  	[dreg:$0x5] =	wrdreg $0x9  }
0xb3: {  	_ =	task.clear_ibuf [dreg:s8], $0x6FFFF;
	_ =	strace $0x90000046  }
0xb4: {  	s29 =	simm.s32 $0x9;
	_ =	strace $0x80000048  }
0xb5: {  	_ =	swait.ge [sflag:s29], $0x1  }
0xb6: {  	[sflag:s29] =	ssyncadd.s32 $0xFFFFFFFF  }
0xb7: {  	_ =	strace $0x90000048  }
0xb8: {  	_ =	sfence  }
0xb9: {  	s30 =	sld [smem:$0x0];
	_ =	sdelay $0x2  }
0xba: {  	s31 =	sshll.u32 s1, $0xD;
	s1 =	sshrl.u32 s1, $0x2  }
0xbb: {  	s3 =	sand.u32 $0x4000, s31;
	s1 =	sadd.s32 s1, s30  }
0xbc: {  	s0 =	sor.u32 s3, s0;
	s1 =	sshll.u32 s1, $0x11  }
0xbd: {  	s0 =	sor.u32 s1, s0  }
0xbe: {  	s0 =	sadd.s32 $0x8F2B, s0  }
0xbf: {  	[sflag:s0] =	ssyncadd.remote.s32 $0x1  }
0xc0: {  	_ =	sfence.sel $0xFFFF  }
0xc1: {  	[dreg:$0x0] =	wrdreg $0xFFFFFFFF;
	(pc) =	sbr.abs _section_cstart, $3  }
0xc2: {  	[dreg:$0x1] =	wrdreg $0xFFFFFFFF  }
0xc3: {  	_ =	task.clear_ibuf [dreg:s8], $0x2FFFF;
	_ =	strace $0x9FFFFFFF  }
0xc4: {  	(tm) =	ssettm $0x7FFFFFFF  }
0xc5: {  	_ =	shalt  }
tec
execute0_lowered:
.L_overlay_start_1:
0x0: {  	(tag) =	ssettag $0x1  }
0x1: {  	s0 =	rddreg [dreg:$0x0]  }
0x2: {  	s5 =	rddreg [dreg:$0x1]  }
0x3: {  	s2 =	rddreg [dreg:$0x2]  }
0x4: {  	s3 =	srdreg.scid;
	s1 =	stileid.u32;
	s11 =	simm.s32 $0xC200  }
0x5: {  	s12 =	simm.s32 $0x6;
	s13 =	simm.s32 $0x80;
	s14 =	simm.s32 $0x200  }
0x6: {  	s15 =	simm.s32 $0x4200;
	s16 =	simm.s32 $0x100;
	s17 =	simm.s32 $0x8200  }
0x7: {  	s18 =	simm.s32 $0x1;
	s19 =	simm.s32 $0x2;
	s20 =	simm.s32 $0x180  }
0x8: {  	s21 =	simm.s32 $0x3;
	s22 =	simm.s32 $0x10200;
	s23 =	simm.s32 $0x4  }
0x9: {  	s24 =	simm.s32 $0x14200;
	s25 =	simm.s32 $0x18200;
	s26 =	simm.s32 $0x5  }
0xa: {  	s28 =	simm.s32 $0x0;
	s4 =	sand.u32 $0x1, s3;
	s3 =	simm.s32 $0x0  }
0xb: {  	s6 =	sshll.u32 s1, $0xA;
	s7 =	sshll.u32 s4, $0x9;
	[smem:$0x7FF] =	sst s3  }
0xc: {  	s4 =	ssub.s32 $0x2, s4;
	s6 =	sor.u32 s7, s6;
	_ =	strace $0x80000047  }
0xd: {  	s8 =	sshrl.u32 s4, $0x1;
	s7 =	sshll.u32 s6, $0x4;
	s6 =	sshrl.u32 s6, $0x3  }
0xe: {  	s10 =	ssub.s32 s4, s8;
	s0 =	sadd.s32 s7, s0;
	s5 =	sadd.s32 s5, s6  }
0xf: {  	s10 =	smax.u32 s10, $0x1;
	s4 =	sadd.s32 $0x400, s0;
	s6 =	sadd.s32 $0x40400, s0  }
0x10: {  	s7 =	sadd.s32 $0x40C00, s0;
	s8 =	sadd.s32 $0x41400, s0;
	s9 =	sadd.s32 $0x41C00, s0  }
.LBB2_1:
0x11: {  	[tilespmem:s11], [sflag:$0x1] =	stream.linear.gather [hbm4b:s4+s3], $0x10000, $0x38;
	[tilespmem:$0x1C200] =	vst v63  }
0x12: {  	_ = 	snop  }
0x13: {  	[tilespmem:s3], [sflag:$0x6] =	stream.linear.gather [hbm4b:s5+s3], $0x200, $0x38;
	[tilespmem:$0x1C200] =	vst v63  }
0x14: {  	_ =	swait.ge [sflag:s12], $0x200  }
0x15: {  	[sflag:s12] =	ssyncset.done $0x0  }
0x16: {  	[sflag:s12] =	ssyncadd.s32 $0xFFFFFE00  }
0x17: {  	[tilespmem:s14], [sflag:$0x2] =	stream.indirect.gather [hbm4b:s2+s13], $0x80, s3, s13, $0xb8;
	[tilespmem:$0x1C200] =	vst v63  }
0x18: {  	_ = 	snop  }
0x19: {  	[tilespmem:s15], [sflag:$0x3] =	stream.indirect.gather [hbm4b:s2+s13], $0x80, s13, s13, $0xb8;
	[tilespmem:$0x1C200] =	vst v63  }
0x1a: {  	_ = 	snop  }
0x1b: {  	[tilespmem:s17], [sflag:$0x4] =	stream.indirect.gather [hbm4b:s2+s13], $0x80, s16, s13, $0xb8;
	[tilespmem:$0x1C200] =	vst v63  }
0x1c: {  	_ =	swait.ge [sflag:s18], $0x10000  }
0x1d: {  	[sflag:s18] =	ssyncset.done $0x0  }
0x1e: {  	[sflag:s18] =	ssyncadd.s32 $0xFFFF0000  }
0x1f: {  	_ =	swait.ge [sflag:s19], $0x4000  }
0x20: {  	[sflag:s19] =	ssyncset.done $0x0  }
0x21: {  	s29 =	simm.s32 $0xC400;
	[sflag:s19] =	ssyncadd.s32 $0xFFFFC000  }
0x22: {  	s30 =	simm.s32 $0x400;
	v0 =	vld [tilespmem:s29+$0x180]  }
0x23: {  	v1 =	vld [tilespmem:s30+$0x180]  }
0x24: {  	v2 =	vld [tilespmem:s30+$0xFFFFFE00]  }
0x25: {  	v3 =	vld [tilespmem:s29+$0xFFFFFE80]  }
0x26: {  	v4 =	vld [tilespmem:s29+$0xFFFFFF00]  }
0x27: {  	v6 =	vld [tilespmem:s30+$0xFFFFFF00]  }
0x28: {  	v7 =	vld [tilespmem:s29+$0xFFFFFF80]  }
0x29: {  	v8 =	vld [tilespmem:s30+$0xFFFFFF80]  }
0x2a: {  	v9 =	vld [tilespmem:s29+$0x0]  }
0x2b: {  	v10 =	vld [tilespmem:s30+$0x0]  }
0x2c: {  	v11 =	vld [tilespmem:s30+$0x80]  }
0x2d: {  	v60 =	vld [tilespmem:s29+$0xFFFFFF90]  }
0x2e: {  	v13 =	vld [tilespmem:s29+$0x10]  }
0x2f: {  	v61 =	vld [tilespmem:s29+$0xFFFFFFA0]  }
0x30: {  	v62 =	vld [tilespmem:s29+$0xA0];
	v0 =	vsub.f32 v0, v1  }
0x31: {  	v1 =	vld [tilespmem:s30+$0xFFFFFE80]  }
0x32: {  	[tilespmem:s29+$0x180] =	vst v0;
	v0 =	vld [tilespmem:s29+$0x190]  }
0x33: {  	v5 =	vld [tilespmem:s30+$0x190]  }
0x34: {  	v63 =	vld [tilespmem:s29+$0xFFFFFE30];
	v4 =	vsub.f32 v4, v6  }
0x35: {  	v6 =	vld [tilespmem:s30+$0x100]  }
0x36: {  	[tilespmem:s29+$0xFFFFFF00] =	vst v4;
	v4 =	vsub.f32 v9, v10;
	v10 =	vld [tilespmem:s29+$0xFFFFFE90];
	v1 =	vsub.f32 v3, v1  }
0x37: {  	v3 =	vld [tilespmem:s29+$0x100]  }
0x38: {  	[tilespmem:s29+$0xFFFFFE80] =	vst v1;
	v0 =	vsub.f32 v0, v5;
	v5 =	vld [tilespmem:s29+$0x80]  }
0x39: {  	v1 =	vsub.f32 v7, v8;
	v8 =	vld [tilespmem:s30+$0xFFFFFE90]  }
0x3a: {  	[tilespmem:s29+$0x190] =	vst v0;
	v0 =	vld [tilespmem:s29+$0x1A0]  }
0x3b: {  	[tilespmem:s29+$0x0] =	vst v4;
	v12 =	vld [tilespmem:s30+$0x1A0]  }
0x3c: {  	v9 =	vld [tilespmem:s30+$0x10]  }
0x3d: {  	v7 =	vld [tilespmem:s29+$0xFFFFFE00]  }
0x3e: {  	[tilespmem:s29+$0xFFFFFF80] =	vst v1;
	v1 =	vld [tilespmem:s30+$0xFFFFFF10]  }
0x3f: {  	v4 =	vld [tilespmem:s30+$0xFFFFFF90];
	v8 =	vsub.f32 v10, v8  }
0x40: {  	v5 =	vsub.f32 v5, v11;
	v11 =	vld [tilespmem:s29+$0xFFFFFF10];
	v0 =	vsub.f32 v0, v12  }
0x41: {  	v10 =	vld [tilespmem:s29+$0x110];
	[tilespmem:s29+$0xFFFFFE90] =	vst v8  }
0x42: {  	v8 =	vld [tilespmem:s30+$0xFFFFFEA0];
	[tilespmem:s29+$0x1A0] =	vst v0;
	v0 =	vsub.f32 v7, v2  }
0x43: {  	[tilespmem:s29+$0x80] =	vst v5;
	v7 =	vld [tilespmem:s29+$0x1B0];
	v2 =	vsub.f32 v3, v6  }
0x44: {  	v5 =	vld [tilespmem:s30+$0x1B0];
	[tilespmem:s29+$0xFFFFFE00] =	vst v0  }
0x45: {  	v1 =	vsub.f32 v11, v1;
	[tilespmem:s29+$0x100] =	vst v2;
	v2 =	vld [tilespmem:s29+$0xFFFFFE10]  }
0x46: {  	v3 =	vld [tilespmem:s30+$0xFFFFFE10]  }
0x47: {  	[tilespmem:s29+$0xFFFFFF10] =	vst v1;
	v1 =	vsub.f32 v13, v9;
	v6 =	vld [tilespmem:s30+$0x110]  }
0x48: {  	v4 =	vsub.f32 v60, v4;
	v0 =	vld [tilespmem:s30+$0x90]  }
0x49: {  	v9 =	vld [tilespmem:s30+$0xFFFFFF20];
	[tilespmem:s29+$0x10] =	vst v1  }
0x4a: {  	[tilespmem:s29+$0xFFFFFF90] =	vst v4;
	v4 =	vld [tilespmem:s30+$0x20]  }
0x4b: {  	v2 =	vsub.f32 v2, v3;
	v3 =	vld [tilespmem:s29+$0x90]  }
0x4c: {  	v1 =	vsub.f32 v10, v6;
	v10 =	vld [tilespmem:s29+$0xFFFFFF20]  }
0x4d: {  	[tilespmem:s29+$0xFFFFFE10] =	vst v2;
	v2 =	vld [tilespmem:s29+$0xFFFFFE20]  }
0x4e: {  	v11 =	vld [tilespmem:s30+$0xFFFFFE20]  }
0x4f: {  	v5 =	vsub.f32 v7, v5;
	[tilespmem:s29+$0x110] =	vst v1;
	v1 =	vld [tilespmem:s29+$0xFFFFFEA0]  }
0x50: {  	v7 =	vld [tilespmem:s29+$0x30]  }
0x51: {  	[tilespmem:s29+$0x1B0] =	vst v5;
	v5 =	vld [tilespmem:s29+$0xB0]  }
0x52: {  	v6 =	vld [tilespmem:s30+$0x120]  }
0x53: {  	v0 =	vsub.f32 v3, v0;
	v3 =	vld [tilespmem:s30+$0xFFFFFFA0];
	v2 =	vsub.f32 v2, v11  }
0x54: {  	v1 =	vsub.f32 v1, v8;
	v8 =	vsub.f32 v10, v9;
	v9 =	vld [tilespmem:s29+$0xFFFFFF30]  }
0x55: {  	[tilespmem:s29+$0xFFFFFE20] =	vst v2;
	v2 =	vld [tilespmem:s29+$0x120]  }
0x56: {  	[tilespmem:s29+$0x90] =	vst v0;
	v11 =	vld [tilespmem:s29+$0x20]  }
0x57: {  	v0 =	vld [tilespmem:s30+$0xA0];
	[tilespmem:s29+$0xFFFFFEA0] =	vst v1  }
0x58: {  	[tilespmem:s29+$0xFFFFFF20] =	vst v8;
	v8 =	vld [tilespmem:s29+$0xFFFFFFB0]  }
0x59: {  	v1 =	vsub.f32 v61, v3;
	v14 =	vld [tilespmem:s30+$0xFFFFFEB0]  }
0x5a: {  	v10 =	vld [tilespmem:s30+$0xFFFFFE30];
	v6 =	vsub.f32 v2, v6  }
0x5b: {  	[tilespmem:s29+$0xFFFFFFA0] =	vst v1;
	v3 =	vsub.f32 v11, v4;
	v4 =	vld [tilespmem:s30+$0xFFFFFF30]  }
0x5c: {  	v0 =	vsub.f32 v62, v0;
	[tilespmem:s29+$0x120] =	vst v6;
	v6 =	vld [tilespmem:s29+$0xFFFFFEB0]  }
0x5d: {  	v1 =	vld [tilespmem:s30+$0xFFFFFFB0];
	[tilespmem:s29+$0x20] =	vst v3  }
0x5e: {  	[tilespmem:s29+$0xA0] =	vst v0;
	v2 =	vld [tilespmem:s30+$0x30]  }
0x5f: {  	v3 =	vld [tilespmem:s30+$0xB0];
	v10 =	vsub.f32 v63, v10  }
0x60: {  	v0 =	vld [tilespmem:s30+$0x130]  }
0x61: {  	s31 =	simm.s32 $0x0;
	s0 =	simm.s32 $0xC800;
	[tilespmem:s29+$0xFFFFFE30] =	vst v10;
	v10 =	vsub.f32 v6, v14;
	v6 =	vld [tilespmem:s29+$0x130]  }
.LBB2_2:
0x62: {  	v11 =	vld [tilespmem:s0+$0x180];
	v4 =	vsub.f32 v9, v4;
	s30 =	sadd.s32 $0x400, s30  }
0x63: {  	s31 =	sadd.s32 $0x8, s31;
	v9 =	vld [tilespmem:s30+$0x180];
	[tilespmem:s29+$0xFFFFFEB0] =	vst v10;
	v1 =	vsub.f32 v8, v1  }
0x64: {  	p0 =	slt.u32 s31, $0x78;
	v8 =	vld [tilespmem:s30+$0xFFFFFE00];
	[tilespmem:s29+$0xFFFFFF30] =	vst v4;
	v2 =	vsub.f32 v7, v2  }
0x65: {  	v4 =	vld [tilespmem:s0+$0xFFFFFE80];
	[tilespmem:s29+$0xFFFFFFB0] =	vst v1;
	v1 =	vsub.f32 v5, v3  }
0x66: {  	v3 =	vld [tilespmem:s30+$0xFFFFFE80];
	[tilespmem:s29+$0x30] =	vst v2;
	v0 =	vsub.f32 v6, v0  }
0x67: {  	v2 =	vld [tilespmem:s0+$0xFFFFFF00];
	[tilespmem:s29+$0xB0] =	vst v1  }
0x68: {  	v1 =	vld [tilespmem:s30+$0xFFFFFF00];
	v5 =	vsub.f32 v11, v9;
	[tilespmem:s29+$0x130] =	vst v0;
	s29 =	smov.u32 s0  }
0x69: {  	v0 =	vld [tilespmem:s0+$0xFFFFFF80]  }
0x6a: {  	[tilespmem:s0+$0x180] =	vst v5;
	v5 =	vld [tilespmem:s0+$0x190]  }
0x6b: {  	v3 =	vsub.f32 v4, v3;
	v4 =	vld [tilespmem:s30+$0x190]  }
0x6c: {  	v6 =	vld [tilespmem:s30+$0xFFFFFF80]  }
0x6d: {  	[tilespmem:s0+$0xFFFFFE80] =	vst v3;
	v1 =	vsub.f32 v2, v1;
	v2 =	vld [tilespmem:s0+$0x0]  }
0x6e: {  	v3 =	vld [tilespmem:s30+$0x0]  }
0x6f: {  	[tilespmem:s0+$0xFFFFFF00] =	vst v1;
	v1 =	vld [tilespmem:s0+$0x80]  }
0x70: {  	v7 =	vld [tilespmem:s30+$0x80];
	v4 =	vsub.f32 v5, v4  }
0x71: {  	v0 =	vsub.f32 v0, v6;
	v5 =	vld [tilespmem:s0+$0x100]  }
0x72: {  	[tilespmem:s0+$0x190] =	vst v4;
	v4 =	vld [tilespmem:s0+$0x1A0]  }
0x73: {  	[tilespmem:s0+$0xFFFFFF80] =	vst v0;
	v0 =	vsub.f32 v2, v3;
	v2 =	vld [tilespmem:s30+$0x1A0]  }
0x74: {  	v3 =	vld [tilespmem:s30+$0x100]  }
0x75: {  	v6 =	vld [tilespmem:s0+$0xFFFFFE00];
	[tilespmem:s0+$0x0] =	vst v0;
	v0 =	vsub.f32 v1, v7  }
0x76: {  	v1 =	vld [tilespmem:s30+$0xFFFFFE90]  }
0x77: {  	v7 =	vld [tilespmem:s30+$0xFFFFFF10];
	[tilespmem:s0+$0x80] =	vst v0  }
0x78: {  	v0 =	vld [tilespmem:s30+$0xFFFFFF90];
	v2 =	vsub.f32 v4, v2  }
0x79: {  	v4 =	vld [tilespmem:s30+$0x10];
	v3 =	vsub.f32 v5, v3  }
0x7a: {  	v5 =	vsub.f32 v6, v8;
	[tilespmem:s0+$0x1A0] =	vst v2;
	v2 =	vld [tilespmem:s0+$0x1B0]  }
0x7b: {  	[tilespmem:s0+$0x100] =	vst v3;
	v3 =	vld [tilespmem:s30+$0x1B0]  }
0x7c: {  	[tilespmem:s0+$0xFFFFFE00] =	vst v5;
	v5 =	vld [tilespmem:s30+$0x90]  }
0x7d: {  	v6 =	vld [tilespmem:s30+$0xFFFFFE10]  }
0x7e: {  	v8 =	vld [tilespmem:s30+$0x110]  }
0x7f: {  	v9 =	vld [tilespmem:s0+$0xFFFFFE10]  }
0x80: {  	v10 =	vld [tilespmem:s0+$0xFFFFFE90];
	v2 =	vsub.f32 v2, v3  }
0x81: {  	v3 =	vld [tilespmem:s0+$0xFFFFFF10]  }
0x82: {  	v11 =	vld [tilespmem:s0+$0xFFFFFF90];
	[tilespmem:s0+$0x1B0] =	vst v2  }
0x83: {  	v2 =	vld [tilespmem:s0+$0x10]  }
0x84: {  	v6 =	vsub.f32 v9, v6;
	v9 =	vld [tilespmem:s0+$0x90]  }
0x85: {  	v1 =	vsub.f32 v10, v1;
	v10 =	vld [tilespmem:s0+$0x110]  }
0x86: {  	[tilespmem:s0+$0xFFFFFE10] =	vst v6;
	v6 =	vld [tilespmem:s0+$0xFFFFFE20];
	v3 =	vsub.f32 v3, v7  }
0x87: {  	v7 =	vld [tilespmem:s30+$0xFFFFFE20];
	[tilespmem:s0+$0xFFFFFE90] =	vst v1;
	v0 =	vsub.f32 v11, v0  }
0x88: {  	v1 =	vld [tilespmem:s30+$0xFFFFFEA0];
	[tilespmem:s0+$0xFFFFFF10] =	vst v3;
	v2 =	vsub.f32 v2, v4  }
0x89: {  	v3 =	vld [tilespmem:s30+$0xFFFFFF20];
	[tilespmem:s0+$0xFFFFFF90] =	vst v0;
	v0 =	vsub.f32 v9, v5  }
0x8a: {  	v4 =	vld [tilespmem:s30+$0xFFFFFFA0];
	[tilespmem:s0+$0x10] =	vst v2;
	v2 =	vsub.f32 v10, v8  }
0x8b: {  	v5 =	vld [tilespmem:s30+$0x20];
	[tilespmem:s0+$0x90] =	vst v0  }
0x8c: {  	v0 =	vsub.f32 v6, v7;
	v6 =	vld [tilespmem:s30+$0xA0];
	[tilespmem:s0+$0x110] =	vst v2  }
0x8d: {  	v2 =	vld [tilespmem:s30+$0x120]  }
0x8e: {  	[tilespmem:s0+$0xFFFFFE20] =	vst v0;
	v0 =	vld [tilespmem:s0+$0xFFFFFEA0]  }
0x8f: {  	v7 =	vld [tilespmem:s0+$0xFFFFFF20]  }
0x90: {  	v8 =	vld [tilespmem:s0+$0xFFFFFFA0]  }
0x91: {  	v9 =	vld [tilespmem:s0+$0x20]  }
0x92: {  	v10 =	vld [tilespmem:s0+$0xA0]  }
0x93: {  	v0 =	vsub.f32 v0, v1;
	v11 =	vld [tilespmem:s0+$0x120]  }
0x94: {  	v12 =	vld [tilespmem:s30+$0xFFFFFE30];
	v1 =	vsub.f32 v7, v3  }
0x95: {  	v3 =	vld [tilespmem:s0+$0xFFFFFE30];
	[tilespmem:s0+$0xFFFFFEA0] =	vst v0;
	v0 =	vsub.f32 v8, v4  }
0x96: {  	v13 =	vld [tilespmem:s30+$0xFFFFFEB0];
	[tilespmem:s0+$0xFFFFFF20] =	vst v1;
	v5 =	vsub.f32 v9, v5  }
0x97: {  	v4 =	vld [tilespmem:s30+$0xFFFFFF30];
	[tilespmem:s0+$0xFFFFFFA0] =	vst v0;
	v0 =	vsub.f32 v10, v6  }
0x98: {  	v1 =	vld [tilespmem:s30+$0xFFFFFFB0];
	[tilespmem:s0+$0x20] =	vst v5;
	v5 =	vsub.f32 v11, v2  }
0x99: {  	v2 =	vld [tilespmem:s30+$0x30];
	[tilespmem:s0+$0xA0] =	vst v0  }
0x9a: {  	v6 =	vsub.f32 v3, v12;
	v3 =	vld [tilespmem:s30+$0xB0];
	[tilespmem:s0+$0x120] =	vst v5  }
0x9b: {  	v0 =	vld [tilespmem:s30+$0x130]  }
0x9c: {  	[tilespmem:s0+$0xFFFFFE30] =	vst v6;
	v6 =	vld [tilespmem:s0+$0xFFFFFEB0]  }
.Ltmp0:
0x9d: {  	v9 =	vld [tilespmem:s0+$0xFFFFFF30];
	(pc) =	sbr.rel @p0 .LBB2_2-.Ltmp0, $4  }
0x9e: {  	v8 =	vld [tilespmem:s0+$0xFFFFFFB0]  }
0x9f: {  	v7 =	vld [tilespmem:s0+$0x30]  }
0xa0: {  	v5 =	vld [tilespmem:s0+$0xB0]  }
0xa1: {  	s0 =	sadd.s32 $0x400, s0;
	v10 =	vsub.f32 v6, v13;
	v6 =	vld [tilespmem:s29+$0x130]  }
0xa2: {  	v4 =	vsub.f32 v9, v4  }
0xa3: {  	[tilespmem:s29+$0xFFFFFEB0] =	vst v10;
	v1 =	vsub.f32 v8, v1  }
0xa4: {  	[tilespmem:s29+$0xFFFFFF30] =	vst v4;
	v2 =	vsub.f32 v7, v2  }
0xa5: {  	[tilespmem:s29+$0xFFFFFFB0] =	vst v1;
	v1 =	vsub.f32 v5, v3  }
0xa6: {  	[tilespmem:s29+$0x30] =	vst v2;
	v0 =	vsub.f32 v6, v0  }
0xa7: {  	[tilespmem:s29+$0xB0] =	vst v1  }
0xa8: {  	s0 =	simm.s32 $0x0;
	[tilespmem:s29+$0x130] =	vst v0  }
0xa9: {  	[hbm4b:s6+s0] =	stream.linear.scatter [tilespmem:s11], [sflag:$0x5], $0x4000, $0x38;
	[tilespmem:$0x1C200] =	vst v63  }
0xaa: {  	_ = 	snop  }
0xab: {  	[tilespmem:s14], [sflag:$0x2] =	stream.indirect.gather [hbm4b:s2+s13], $0x80, s20, s13, $0xb8;
	[tilespmem:$0x1C200] =	vst v63  }
0xac: {  	_ =	swait.ge [sflag:s21], $0x4000  }
0xad: {  	[sflag:s21] =	ssyncset.done $0x0  }
0xae: {  	s29 =	simm.s32 $0x0;
	[sflag:s21] =	ssyncadd.s32 $0xFFFFC000  }
0xaf: {  	v0 =	vld [tilespmem:s29+$0x105B0]  }
0xb0: {  	v1 =	vld [tilespmem:s29+$0x45B0]  }
0xb1: {  	v2 =	vld [tilespmem:s29+$0x10200]  }
0xb2: {  	v3 =	vld [tilespmem:s29+$0x4200]  }
0xb3: {  	v4 =	vld [tilespmem:s29+$0x10210]  }
0xb4: {  	v5 =	vld [tilespmem:s29+$0x4210]  }
0xb5: {  	v6 =	vld [tilespmem:s29+$0x10220]  }
0xb6: {  	v7 =	vld [tilespmem:s29+$0x4220]  }
0xb7: {  	v48 =	vld [tilespmem:s29+$0x10230]  }
0xb8: {  	v49 =	vld [tilespmem:s29+$0x4230]  }
0xb9: {  	v50 =	vld [tilespmem:s29+$0x10280]  }
0xba: {  	v11 =	vld [tilespmem:s29+$0x4280]  }
0xbb: {  	v12 =	vld [tilespmem:s29+$0x10290]  }
0xbc: {  	v13 =	vld [tilespmem:s29+$0x4290]  }
0xbd: {  	v14 =	vld [tilespmem:s29+$0x102A0]  }
0xbe: {  	v15 =	vld [tilespmem:s29+$0x42A0]  }
0xbf: {  	v16 =	vld [tilespmem:s29+$0x102B0]  }
0xc0: {  	v17 =	vld [tilespmem:s29+$0x42B0]  }
0xc1: {  	v18 =	vld [tilespmem:s29+$0x10300]  }
0xc2: {  	v19 =	vld [tilespmem:s29+$0x4300]  }
0xc3: {  	v20 =	vld [tilespmem:s29+$0x10310]  }
0xc4: {  	v21 =	vld [tilespmem:s29+$0x4310]  }
0xc5: {  	v22 =	vld [tilespmem:s29+$0x10320]  }
0xc6: {  	v23 =	vld [tilespmem:s29+$0x4320]  }
0xc7: {  	v24 =	vld [tilespmem:s29+$0x10330]  }
0xc8: {  	v25 =	vld [tilespmem:s29+$0x4330]  }
0xc9: {  	v26 =	vld [tilespmem:s29+$0x10380]  }
0xca: {  	v27 =	vld [tilespmem:s29+$0x4380]  }
0xcb: {  	v28 =	vld [tilespmem:s29+$0x10390]  }
0xcc: {  	v29 =	vld [tilespmem:s29+$0x4390]  }
0xcd: {  	v30 =	vld [tilespmem:s29+$0x103A0]  }
0xce: {  	v31 =	vld [tilespmem:s29+$0x43A0]  }
0xcf: {  	v32 =	vld [tilespmem:s29+$0x103B0]  }
0xd0: {  	v51 =	vld [tilespmem:s29+$0x4420];
	v0 =	vsub.f32 v0, v1  }
0xd1: {  	v52 =	vld [tilespmem:s29+$0x10430];
	v2 =	vsub.f32 v2, v3  }
0xd2: {  	v53 =	vld [tilespmem:s29+$0x4430];
	[tilespmem:s29+$0x105B0] =	vst v0;
	v0 =	vsub.f32 v4, v5  }
0xd3: {  	v54 =	vld [tilespmem:s29+$0x10480];
	[tilespmem:s29+$0x10200] =	vst v2;
	v2 =	vsub.f32 v6, v7  }
0xd4: {  	v55 =	vld [tilespmem:s29+$0x4480];
	[tilespmem:s29+$0x10210] =	vst v0;
	v0 =	vsub.f32 v48, v49  }
0xd5: {  	v56 =	vld [tilespmem:s29+$0x10490];
	[tilespmem:s29+$0x10220] =	vst v2;
	v2 =	vsub.f32 v50, v11  }
0xd6: {  	v57 =	vld [tilespmem:s29+$0x4490];
	[tilespmem:s29+$0x10230] =	vst v0;
	v0 =	vsub.f32 v12, v13  }
0xd7: {  	v58 =	vld [tilespmem:s29+$0x104A0];
	[tilespmem:s29+$0x10280] =	vst v2;
	v2 =	vsub.f32 v14, v15  }
0xd8: {  	v59 =	vld [tilespmem:s29+$0x44A0];
	[tilespmem:s29+$0x10290] =	vst v0;
	v0 =	vsub.f32 v16, v17  }
0xd9: {  	v1 =	vld [tilespmem:s29+$0x43B0];
	[tilespmem:s29+$0x102A0] =	vst v2;
	v2 =	vsub.f32 v18, v19  }
0xda: {  	v3 =	vld [tilespmem:s29+$0x10400];
	[tilespmem:s29+$0x102B0] =	vst v0;
	v0 =	vsub.f32 v20, v21  }
0xdb: {  	v4 =	vld [tilespmem:s29+$0x4400];
	[tilespmem:s29+$0x10300] =	vst v2;
	v2 =	vsub.f32 v22, v23  }
0xdc: {  	v5 =	vld [tilespmem:s29+$0x10410];
	[tilespmem:s29+$0x10310] =	vst v0;
	v0 =	vsub.f32 v24, v25  }
0xdd: {  	v6 =	vld [tilespmem:s29+$0x4410];
	[tilespmem:s29+$0x10320] =	vst v2;
	v2 =	vsub.f32 v26, v27  }
0xde: {  	v7 =	vld [tilespmem:s29+$0x10420];
	[tilespmem:s29+$0x10330] =	vst v0;
	v0 =	vsub.f32 v28, v29  }
0xdf: {  	v60 =	vld [tilespmem:s29+$0x104B0];
	[tilespmem:s29+$0x10380] =	vst v2;
	v2 =	vsub.f32 v30, v31  }
0xe0: {  	v61 =	vld [tilespmem:s29+$0x4520];
	[tilespmem:s29+$0x10390] =	vst v0;
	v0 =	vsub.f32 v32, v1  }
0xe1: {  	v1 =	vld [tilespmem:s29+$0x44B0];
	[tilespmem:s29+$0x103A0] =	vst v2;
	v2 =	vsub.f32 v3, v4  }
0xe2: {  	v3 =	vld [tilespmem:s29+$0x10500];
	[tilespmem:s29+$0x103B0] =	vst v0;
	v0 =	vsub.f32 v5, v6  }
0xe3: {  	v4 =	vld [tilespmem:s29+$0x4500];
	[tilespmem:s29+$0x10400] =	vst v2;
	v2 =	vsub.f32 v7, v51  }
0xe4: {  	v5 =	vld [tilespmem:s29+$0x10510];
	[tilespmem:s29+$0x10410] =	vst v0;
	v0 =	vsub.f32 v52, v53  }
0xe5: {  	v6 =	vld [tilespmem:s29+$0x4510];
	[tilespmem:s29+$0x10420] =	vst v2;
	v2 =	vsub.f32 v54, v55  }
0xe6: {  	v7 =	vld [tilespmem:s29+$0x10520];
	v1 =	vsub.f32 v60, v1;
	[tilespmem:s29+$0x10430] =	vst v0  }
0xe7: {  	v62 =	vld [tilespmem:s29+$0x10530];
	v0 =	vsub.f32 v56, v57;
	[tilespmem:s29+$0x10480] =	vst v2  }
0xe8: {  	v63 =	vld [tilespmem:s29+$0x4530];
	v2 =	vsub.f32 v58, v59;
	[tilespmem:s29+$0x104B0] =	vst v1  }
0xe9: {  	v3 =	vsub.f32 v3, v4;
	[tilespmem:s29+$0x10490] =	vst v0;
	v0 =	vld [tilespmem:s29+$0x10580]  }
0xea: {  	v4 =	vsub.f32 v5, v6;
	[tilespmem:s29+$0x104A0] =	vst v2;
	v2 =	vld [tilespmem:s29+$0x4580]  }
0xeb: {  	[tilespmem:s29+$0x10500] =	vst v3;
	v5 =	vsub.f32 v7, v61;
	v1 =	vld [tilespmem:s29+$0x10590]  }
0xec: {  	v3 =	vld [tilespmem:s29+$0x4590];
	[tilespmem:s29+$0x10510] =	vst v4  }
0xed: {  	s30 =	simm.s32 $0x0;
	s0 =	simm.s32 $0x1000;
	[tilespmem:s29+$0x10520] =	vst v5;
	v5 =	vsub.f32 v62, v63;
	v4 =	vld [tilespmem:s29+$0x105A0]  }
.LBB2_4:
0xee: {  	s31 =	sshra.s32 s0, $0x2;
	v6 =	vld [tilespmem:s29+$0x45A0]  }
0xef: {  	s30 =	sadd.s32 $0x8, s30;
	v7 =	vld [tilespmem:s31+$0x105B0];
	[tilespmem:s29+$0x10530] =	vst v5;
	v0 =	vsub.f32 v0, v2  }
0xf0: {  	p0 =	slt.u32 s30, $0x78;
	v2 =	vld [tilespmem:s31+$0x45B0]  }
0xf1: {  	v5 =	vld [tilespmem:s31+$0x10200];
	[tilespmem:s29+$0x10580] =	vst v0;
	v0 =	vsub.f32 v1, v3  }
0xf2: {  	v1 =	vld [tilespmem:s31+$0x4200]  }
0xf3: {  	v3 =	vld [tilespmem:s31+$0x10210];
	[tilespmem:s29+$0x10590] =	vst v0;
	v0 =	vsub.f32 v4, v6  }
0xf4: {  	v4 =	vld [tilespmem:s31+$0x4210]  }
0xf5: {  	v6 =	vld [tilespmem:s31+$0x10220];
	v2 =	vsub.f32 v7, v2;
	[tilespmem:s29+$0x105A0] =	vst v0;
	s29 =	smov.u32 s31  }
0xf6: {  	v0 =	vld [tilespmem:s29+$0x4220]  }
0xf7: {  	v1 =	vsub.f32 v5, v1;
	v5 =	vld [tilespmem:s29+$0x10230];
	[tilespmem:s29+$0x105B0] =	vst v2  }
0xf8: {  	v2 =	vld [tilespmem:s29+$0x4230]  }
0xf9: {  	[tilespmem:s29+$0x10200] =	vst v1;
	v1 =	vsub.f32 v3, v4;
	v3 =	vld [tilespmem:s29+$0x10280]  }
0xfa: {  	v4 =	vld [tilespmem:s29+$0x4280]  }
0xfb: {  	[tilespmem:s29+$0x10210] =	vst v1;
	v0 =	vsub.f32 v6, v0;
	v1 =	vld [tilespmem:s29+$0x10290]  }
0xfc: {  	v6 =	vld [tilespmem:s29+$0x4290]  }
0xfd: {  	[tilespmem:s29+$0x10220] =	vst v0;
	v0 =	vsub.f32 v5, v2;
	v2 =	vld [tilespmem:s29+$0x102A0]  }
0xfe: {  	v5 =	vld [tilespmem:s29+$0x42A0]  }
0xff: {  	[tilespmem:s29+$0x10230] =	vst v0;
	v0 =	vsub.f32 v3, v4;
	v3 =	vld [tilespmem:s29+$0x102B0]  }
0x100: {  	v4 =	vld [tilespmem:s29+$0x42B0]  }
0x101: {  	[tilespmem:s29+$0x10280] =	vst v0;
	v0 =	vsub.f32 v1, v6;
	v1 =	vld [tilespmem:s29+$0x10300]  }
0x102: {  	v6 =	vld [tilespmem:s29+$0x4300]  }
0x103: {  	[tilespmem:s29+$0x10290] =	vst v0;
	v0 =	vsub.f32 v2, v5;
	v2 =	vld [tilespmem:s29+$0x10310]  }
0x104: {  	v5 =	vld [tilespmem:s29+$0x4310]  }
0x105: {  	[tilespmem:s29+$0x102A0] =	vst v0;
	v0 =	vsub.f32 v3, v4;
	v3 =	vld [tilespmem:s29+$0x10320]  }
0x106: {  	v4 =	vld [tilespmem:s29+$0x4320]  }
0x107: {  	[tilespmem:s29+$0x102B0] =	vst v0;
	v0 =	vsub.f32 v1, v6;
	v1 =	vld [tilespmem:s29+$0x10330]  }
0x108: {  	v6 =	vld [tilespmem:s29+$0x4330]  }
0x109: {  	[tilespmem:s29+$0x10300] =	vst v0;
	v0 =	vsub.f32 v2, v5;
	v2 =	vld [tilespmem:s29+$0x10380]  }
0x10a: {  	v5 =	vld [tilespmem:s29+$0x4380]  }
0x10b: {  	[tilespmem:s29+$0x10310] =	vst v0;
	v0 =	vsub.f32 v3, v4;
	v3 =	vld [tilespmem:s29+$0x10390]  }
0x10c: {  	v4 =	vld [tilespmem:s29+$0x4390]  }
0x10d: {  	[tilespmem:s29+$0x10320] =	vst v0;
	v0 =	vsub.f32 v1, v6;
	v1 =	vld [tilespmem:s29+$0x103A0]  }
0x10e: {  	v6 =	vld [tilespmem:s29+$0x43A0]  }
0x10f: {  	[tilespmem:s29+$0x10330] =	vst v0;
	v0 =	vsub.f32 v2, v5;
	v2 =	vld [tilespmem:s29+$0x103B0]  }
0x110: {  	v5 =	vld [tilespmem:s29+$0x43B0]  }
0x111: {  	[tilespmem:s29+$0x10380] =	vst v0;
	v0 =	vsub.f32 v3, v4;
	v3 =	vld [tilespmem:s29+$0x10400]  }
0x112: {  	v4 =	vld [tilespmem:s29+$0x4400]  }
0x113: {  	[tilespmem:s29+$0x10390] =	vst v0;
	v0 =	vsub.f32 v1, v6;
	v1 =	vld [tilespmem:s29+$0x10410]  }
0x114: {  	v6 =	vld [tilespmem:s29+$0x4410]  }
0x115: {  	[tilespmem:s29+$0x103A0] =	vst v0;
	v0 =	vsub.f32 v2, v5;
	v2 =	vld [tilespmem:s29+$0x10420]  }
0x116: {  	v5 =	vld [tilespmem:s29+$0x4420]  }
0x117: {  	[tilespmem:s29+$0x103B0] =	vst v0;
	v0 =	vsub.f32 v3, v4;
	v3 =	vld [tilespmem:s29+$0x10430]  }
0x118: {  	v4 =	vld [tilespmem:s29+$0x4430]  }
0x119: {  	[tilespmem:s29+$0x10400] =	vst v0;
	v0 =	vsub.f32 v1, v6;
	v1 =	vld [tilespmem:s29+$0x10480]  }
0x11a: {  	v6 =	vld [tilespmem:s29+$0x4480]  }
0x11b: {  	[tilespmem:s29+$0x10410] =	vst v0;
	v0 =	vsub.f32 v2, v5;
	v2 =	vld [tilespmem:s29+$0x10490]  }
0x11c: {  	v5 =	vld [tilespmem:s29+$0x4490]  }
0x11d: {  	[tilespmem:s29+$0x10420] =	vst v0;
	v0 =	vsub.f32 v3, v4;
	v3 =	vld [tilespmem:s29+$0x104A0]  }
0x11e: {  	v4 =	vld [tilespmem:s29+$0x44A0]  }
0x11f: {  	[tilespmem:s29+$0x10430] =	vst v0;
	v0 =	vsub.f32 v1, v6;
	v1 =	vld [tilespmem:s29+$0x104B0]  }
0x120: {  	v6 =	vld [tilespmem:s29+$0x44B0]  }
0x121: {  	[tilespmem:s29+$0x10480] =	vst v0;
	v0 =	vsub.f32 v2, v5;
	v2 =	vld [tilespmem:s29+$0x10500]  }
0x122: {  	v5 =	vld [tilespmem:s29+$0x4500]  }
0x123: {  	[tilespmem:s29+$0x10490] =	vst v0;
	v0 =	vsub.f32 v3, v4;
	v3 =	vld [tilespmem:s29+$0x10510]  }
0x124: {  	v4 =	vld [tilespmem:s29+$0x4510]  }
0x125: {  	[tilespmem:s29+$0x104A0] =	vst v0;
	v0 =	vsub.f32 v1, v6;
	v1 =	vld [tilespmem:s29+$0x10520]  }
0x126: {  	v6 =	vld [tilespmem:s29+$0x4520]  }
0x127: {  	[tilespmem:s29+$0x104B0] =	vst v0;
	v0 =	vsub.f32 v2, v5;
	v5 =	vld [tilespmem:s29+$0x10530]  }
0x128: {  	v7 =	vld [tilespmem:s29+$0x4530]  }
.Ltmp1:
0x129: {  	[tilespmem:s29+$0x10500] =	vst v0;
	v3 =	vsub.f32 v3, v4;
	v0 =	vld [tilespmem:s29+$0x10580];
	(pc) =	sbr.rel @p0 .LBB2_4-.Ltmp1, $4  }
0x12a: {  	v2 =	vld [tilespmem:s29+$0x4580]  }
0x12b: {  	[tilespmem:s29+$0x10510] =	vst v3;
	v4 =	vsub.f32 v1, v6;
	v1 =	vld [tilespmem:s29+$0x10590]  }
0x12c: {  	v3 =	vld [tilespmem:s29+$0x4590]  }
0x12d: {  	s0 =	sadd.s32 $0x1000, s0;
	[tilespmem:s29+$0x10520] =	vst v4;
	v5 =	vsub.f32 v5, v7;
	v4 =	vld [tilespmem:s29+$0x105A0]  }
0x12e: {  	v6 =	vld [tilespmem:s29+$0x45A0];
	_ =	sdelay $0x2  }
0x12f: {  	v0 =	vsub.f32 v0, v2  }
0x130: {  	[tilespmem:s29+$0x10530] =	vst v5;
	v1 =	vsub.f32 v1, v3  }
0x131: {  	[tilespmem:s29+$0x10580] =	vst v0;
	v0 =	vsub.f32 v4, v6  }
0x132: {  	[tilespmem:s29+$0x10590] =	vst v1  }
0x133: {  	s0 =	simm.s32 $0x0;
	[tilespmem:s29+$0x105A0] =	vst v0  }
0x134: {  	[hbm4b:s7+s0] =	stream.linear.scatter [tilespmem:s22], [sflag:$0x5], $0x4000, $0x38;
	[tilespmem:$0x1C200] =	vst v63  }
0x135: {  	_ =	swait.ge [sflag:s23], $0x4000  }
0x136: {  	[sflag:s23] =	ssyncset.done $0x0  }
0x137: {  	s29 =	simm.s32 $0x0;
	[sflag:s23] =	ssyncadd.s32 $0xFFFFC000  }
0x138: {  	v0 =	vld [tilespmem:s29+$0x145B0]  }
0x139: {  	v1 =	vld [tilespmem:s29+$0x85B0]  }
0x13a: {  	v2 =	vld [tilespmem:s29+$0x14200]  }
0x13b: {  	v3 =	vld [tilespmem:s29+$0x8200]  }
0x13c: {  	v4 =	vld [tilespmem:s29+$0x14210]  }
0x13d: {  	v5 =	vld [tilespmem:s29+$0x8210]  }
0x13e: {  	v6 =	vld [tilespmem:s29+$0x14220]  }
0x13f: {  	v7 =	vld [tilespmem:s29+$0x8220]  }
0x140: {  	v8 =	vld [tilespmem:s29+$0x14230]  }
0x141: {  	v9 =	vld [tilespmem:s29+$0x8230]  }
0x142: {  	v10 =	vld [tilespmem:s29+$0x14280]  }
0x143: {  	v11 =	vld [tilespmem:s29+$0x8280]  }
0x144: {  	v12 =	vld [tilespmem:s29+$0x14290]  }
0x145: {  	v13 =	vld [tilespmem:s29+$0x8290]  }
0x146: {  	v14 =	vld [tilespmem:s29+$0x142A0]  }
0x147: {  	v15 =	vld [tilespmem:s29+$0x82A0]  }
0x148: {  	v16 =	vld [tilespmem:s29+$0x142B0]  }
0x149: {  	v17 =	vld [tilespmem:s29+$0x82B0]  }
0x14a: {  	v18 =	vld [tilespmem:s29+$0x14300]  }
0x14b: {  	v19 =	vld [tilespmem:s29+$0x8300]  }
0x14c: {  	v20 =	vld [tilespmem:s29+$0x14310]  }
0x14d: {  	v21 =	vld [tilespmem:s29+$0x8310]  }
0x14e: {  	v22 =	vld [tilespmem:s29+$0x14320]  }
0x14f: {  	v23 =	vld [tilespmem:s29+$0x8320]  }
0x150: {  	v24 =	vld [tilespmem:s29+$0x14330]  }
0x151: {  	v25 =	vld [tilespmem:s29+$0x8330]  }
0x152: {  	v26 =	vld [tilespmem:s29+$0x14380]  }
0x153: {  	v27 =	vld [tilespmem:s29+$0x8380]  }
0x154: {  	v28 =	vld [tilespmem:s29+$0x14390]  }
0x155: {  	v29 =	vld [tilespmem:s29+$0x8390]  }
0x156: {  	v30 =	vld [tilespmem:s29+$0x143A0]  }
0x157: {  	v31 =	vld [tilespmem:s29+$0x83A0]  }
0x158: {  	v32 =	vld [tilespmem:s29+$0x143B0]  }
0x159: {  	v51 =	vld [tilespmem:s29+$0x8420];
	v0 =	vsub.f32 v0, v1  }
0x15a: {  	v52 =	vld [tilespmem:s29+$0x14430];
	v2 =	vsub.f32 v2, v3  }
0x15b: {  	v53 =	vld [tilespmem:s29+$0x8430];
	[tilespmem:s29+$0x145B0] =	vst v0;
	v0 =	vsub.f32 v4, v5  }
0x15c: {  	v54 =	vld [tilespmem:s29+$0x14480];
	[tilespmem:s29+$0x14200] =	vst v2;
	v2 =	vsub.f32 v6, v7  }
0x15d: {  	v55 =	vld [tilespmem:s29+$0x8480];
	[tilespmem:s29+$0x14210] =	vst v0;
	v0 =	vsub.f32 v8, v9  }
0x15e: {  	v56 =	vld [tilespmem:s29+$0x14490];
	[tilespmem:s29+$0x14220] =	vst v2;
	v2 =	vsub.f32 v10, v11  }
0x15f: {  	v57 =	vld [tilespmem:s29+$0x8490];
	[tilespmem:s29+$0x14230] =	vst v0;
	v0 =	vsub.f32 v12, v13  }
0x160: {  	v58 =	vld [tilespmem:s29+$0x144A0];
	[tilespmem:s29+$0x14280] =	vst v2;
	v2 =	vsub.f32 v14, v15  }
0x161: {  	v59 =	vld [tilespmem:s29+$0x84A0];
	[tilespmem:s29+$0x14290] =	vst v0;
	v0 =	vsub.f32 v16, v17  }
0x162: {  	v1 =	vld [tilespmem:s29+$0x83B0];
	[tilespmem:s29+$0x142A0] =	vst v2;
	v2 =	vsub.f32 v18, v19  }
0x163: {  	v3 =	vld [tilespmem:s29+$0x14400];
	[tilespmem:s29+$0x142B0] =	vst v0;
	v0 =	vsub.f32 v20, v21  }
0x164: {  	v4 =	vld [tilespmem:s29+$0x8400];
	[tilespmem:s29+$0x14300] =	vst v2;
	v2 =	vsub.f32 v22, v23  }
0x165: {  	v5 =	vld [tilespmem:s29+$0x14410];
	[tilespmem:s29+$0x14310] =	vst v0;
	v0 =	vsub.f32 v24, v25  }
0x166: {  	v6 =	vld [tilespmem:s29+$0x8410];
	[tilespmem:s29+$0x14320] =	vst v2;
	v2 =	vsub.f32 v26, v27  }
0x167: {  	v7 =	vld [tilespmem:s29+$0x14420];
	[tilespmem:s29+$0x14330] =	vst v0;
	v0 =	vsub.f32 v28, v29  }
0x168: {  	v60 =	vld [tilespmem:s29+$0x144B0];
	[tilespmem:s29+$0x14380] =	vst v2;
	v2 =	vsub.f32 v30, v31  }
0x169: {  	v61 =	vld [tilespmem:s29+$0x8520];
	[tilespmem:s29+$0x14390] =	vst v0;
	v0 =	vsub.f32 v32, v1  }
0x16a: {  	v1 =	vld [tilespmem:s29+$0x84B0];
	[tilespmem:s29+$0x143A0] =	vst v2;
	v2 =	vsub.f32 v3, v4  }
0x16b: {  	v3 =	vld [tilespmem:s29+$0x14500];
	[tilespmem:s29+$0x143B0] =	vst v0;
	v0 =	vsub.f32 v5, v6  }
0x16c: {  	v4 =	vld [tilespmem:s29+$0x8500];
	[tilespmem:s29+$0x14400] =	vst v2;
	v2 =	vsub.f32 v7, v51  }
0x16d: {  	v5 =	vld [tilespmem:s29+$0x14510];
	[tilespmem:s29+$0x14410] =	vst v0;
	v0 =	vsub.f32 v52, v53  }
0x16e: {  	v6 =	vld [tilespmem:s29+$0x8510];
	[tilespmem:s29+$0x14420] =	vst v2;
	v2 =	vsub.f32 v54, v55  }
0x16f: {  	v7 =	vld [tilespmem:s29+$0x14520];
	v1 =	vsub.f32 v60, v1;
	[tilespmem:s29+$0x14430] =	vst v0  }
0x170: {  	v62 =	vld [tilespmem:s29+$0x14530];
	v0 =	vsub.f32 v56, v57;
	[tilespmem:s29+$0x14480] =	vst v2  }
0x171: {  	v63 =	vld [tilespmem:s29+$0x8530];
	v2 =	vsub.f32 v58, v59;
	[tilespmem:s29+$0x144B0] =	vst v1  }
0x172: {  	v3 =	vsub.f32 v3, v4;
	[tilespmem:s29+$0x14490] =	vst v0;
	v0 =	vld [tilespmem:s29+$0x14580]  }
0x173: {  	v4 =	vsub.f32 v5, v6;
	[tilespmem:s29+$0x144A0] =	vst v2;
	v2 =	vld [tilespmem:s29+$0x8580]  }
0x174: {  	[tilespmem:s29+$0x14500] =	vst v3;
	v5 =	vsub.f32 v7, v61;
	v1 =	vld [tilespmem:s29+$0x14590]  }
0x175: {  	v3 =	vld [tilespmem:s29+$0x8590];
	[tilespmem:s29+$0x14510] =	vst v4  }
0x176: {  	s30 =	simm.s32 $0x0;
	s0 =	simm.s32 $0x1000;
	[tilespmem:s29+$0x14520] =	vst v5;
	v5 =	vsub.f32 v62, v63;
	v4 =	vld [tilespmem:s29+$0x145A0]  }
.LBB2_6:
0x177: {  	s31 =	sshra.s32 s0, $0x2;
	v6 =	vld [tilespmem:s29+$0x85A0]  }
0x178: {  	s30 =	sadd.s32 $0x8, s30;
	v7 =	vld [tilespmem:s31+$0x145B0];
	[tilespmem:s29+$0x14530] =	vst v5;
	v0 =	vsub.f32 v0, v2  }
0x179: {  	p0 =	slt.u32 s30, $0x78;
	v2 =	vld [tilespmem:s31+$0x85B0]  }
0x17a: {  	v5 =	vld [tilespmem:s31+$0x14200];
	[tilespmem:s29+$0x14580] =	vst v0;
	v0 =	vsub.f32 v1, v3  }
0x17b: {  	v1 =	vld [tilespmem:s31+$0x8200]  }
0x17c: {  	v3 =	vld [tilespmem:s31+$0x14210];
	[tilespmem:s29+$0x14590] =	vst v0;
	v0 =	vsub.f32 v4, v6  }
0x17d: {  	v4 =	vld [tilespmem:s31+$0x8210]  }
0x17e: {  	v6 =	vld [tilespmem:s31+$0x14220];
	v2 =	vsub.f32 v7, v2;
	[tilespmem:s29+$0x145A0] =	vst v0;
	s29 =	smov.u32 s31  }
0x17f: {  	v0 =	vld [tilespmem:s29+$0x8220]  }
0x180: {  	v1 =	vsub.f32 v5, v1;
	v5 =	vld [tilespmem:s29+$0x14230];
	[tilespmem:s29+$0x145B0] =	vst v2  }
0x181: {  	v2 =	vld [tilespmem:s29+$0x8230]  }
0x182: {  	[tilespmem:s29+$0x14200] =	vst v1;
	v1 =	vsub.f32 v3, v4;
	v3 =	vld [tilespmem:s29+$0x14280]  }
0x183: {  	v4 =	vld [tilespmem:s29+$0x8280]  }
0x184: {  	[tilespmem:s29+$0x14210] =	vst v1;
	v0 =	vsub.f32 v6, v0;
	v1 =	vld [tilespmem:s29+$0x14290]  }
0x185: {  	v6 =	vld [tilespmem:s29+$0x8290]  }
0x186: {  	[tilespmem:s29+$0x14220] =	vst v0;
	v0 =	vsub.f32 v5, v2;
	v2 =	vld [tilespmem:s29+$0x142A0]  }
0x187: {  	v5 =	vld [tilespmem:s29+$0x82A0]  }
0x188: {  	[tilespmem:s29+$0x14230] =	vst v0;
	v0 =	vsub.f32 v3, v4;
	v3 =	vld [tilespmem:s29+$0x142B0]  }
0x189: {  	v4 =	vld [tilespmem:s29+$0x82B0]  }
0x18a: {  	[tilespmem:s29+$0x14280] =	vst v0;
	v0 =	vsub.f32 v1, v6;
	v1 =	vld [tilespmem:s29+$0x14300]  }
0x18b: {  	v6 =	vld [tilespmem:s29+$0x8300]  }
0x18c: {  	[tilespmem:s29+$0x14290] =	vst v0;
	v0 =	vsub.f32 v2, v5;
	v2 =	vld [tilespmem:s29+$0x14310]  }
0x18d: {  	v5 =	vld [tilespmem:s29+$0x8310]  }
0x18e: {  	[tilespmem:s29+$0x142A0] =	vst v0;
	v0 =	vsub.f32 v3, v4;
	v3 =	vld [tilespmem:s29+$0x14320]  }
0x18f: {  	v4 =	vld [tilespmem:s29+$0x8320]  }
0x190: {  	[tilespmem:s29+$0x142B0] =	vst v0;
	v0 =	vsub.f32 v1, v6;
	v1 =	vld [tilespmem:s29+$0x14330]  }
0x191: {  	v6 =	vld [tilespmem:s29+$0x8330]  }
0x192: {  	[tilespmem:s29+$0x14300] =	vst v0;
	v0 =	vsub.f32 v2, v5;
	v2 =	vld [tilespmem:s29+$0x14380]  }
0x193: {  	v5 =	vld [tilespmem:s29+$0x8380]  }
0x194: {  	[tilespmem:s29+$0x14310] =	vst v0;
	v0 =	vsub.f32 v3, v4;
	v3 =	vld [tilespmem:s29+$0x14390]  }
0x195: {  	v4 =	vld [tilespmem:s29+$0x8390]  }
0x196: {  	[tilespmem:s29+$0x14320] =	vst v0;
	v0 =	vsub.f32 v1, v6;
	v1 =	vld [tilespmem:s29+$0x143A0]  }
0x197: {  	v6 =	vld [tilespmem:s29+$0x83A0]  }
0x198: {  	[tilespmem:s29+$0x14330] =	vst v0;
	v0 =	vsub.f32 v2, v5;
	v2 =	vld [tilespmem:s29+$0x143B0]  }
0x199: {  	v5 =	vld [tilespmem:s29+$0x83B0]  }
0x19a: {  	[tilespmem:s29+$0x14380] =	vst v0;
	v0 =	vsub.f32 v3, v4;
	v3 =	vld [tilespmem:s29+$0x14400]  }
0x19b: {  	v4 =	vld [tilespmem:s29+$0x8400]  }
0x19c: {  	[tilespmem:s29+$0x14390] =	vst v0;
	v0 =	vsub.f32 v1, v6;
	v1 =	vld [tilespmem:s29+$0x14410]  }
0x19d: {  	v6 =	vld [tilespmem:s29+$0x8410]  }
0x19e: {  	[tilespmem:s29+$0x143A0] =	vst v0;
	v0 =	vsub.f32 v2, v5;
	v2 =	vld [tilespmem:s29+$0x14420]  }
0x19f: {  	v5 =	vld [tilespmem:s29+$0x8420]  }
0x1a0: {  	[tilespmem:s29+$0x143B0] =	vst v0;
	v0 =	vsub.f32 v3, v4;
	v3 =	vld [tilespmem:s29+$0x14430]  }
0x1a1: {  	v4 =	vld [tilespmem:s29+$0x8430]  }
0x1a2: {  	[tilespmem:s29+$0x14400] =	vst v0;
	v0 =	vsub.f32 v1, v6;
	v1 =	vld [tilespmem:s29+$0x14480]  }
0x1a3: {  	v6 =	vld [tilespmem:s29+$0x8480]  }
0x1a4: {  	[tilespmem:s29+$0x14410] =	vst v0;
	v0 =	vsub.f32 v2, v5;
	v2 =	vld [tilespmem:s29+$0x14490]  }
0x1a5: {  	v5 =	vld [tilespmem:s29+$0x8490]  }
0x1a6: {  	[tilespmem:s29+$0x14420] =	vst v0;
	v0 =	vsub.f32 v3, v4;
	v3 =	vld [tilespmem:s29+$0x144A0]  }
0x1a7: {  	v4 =	vld [tilespmem:s29+$0x84A0]  }
0x1a8: {  	[tilespmem:s29+$0x14430] =	vst v0;
	v0 =	vsub.f32 v1, v6;
	v1 =	vld [tilespmem:s29+$0x144B0]  }
0x1a9: {  	v6 =	vld [tilespmem:s29+$0x84B0]  }
0x1aa: {  	[tilespmem:s29+$0x14480] =	vst v0;
	v0 =	vsub.f32 v2, v5;
	v2 =	vld [tilespmem:s29+$0x14500]  }
0x1ab: {  	v5 =	vld [tilespmem:s29+$0x8500]  }
0x1ac: {  	[tilespmem:s29+$0x14490] =	vst v0;
	v0 =	vsub.f32 v3, v4;
	v3 =	vld [tilespmem:s29+$0x14510]  }
0x1ad: {  	v4 =	vld [tilespmem:s29+$0x8510]  }
0x1ae: {  	[tilespmem:s29+$0x144A0] =	vst v0;
	v0 =	vsub.f32 v1, v6;
	v1 =	vld [tilespmem:s29+$0x14520]  }
0x1af: {  	v6 =	vld [tilespmem:s29+$0x8520]  }
0x1b0: {  	[tilespmem:s29+$0x144B0] =	vst v0;
	v0 =	vsub.f32 v2, v5;
	v5 =	vld [tilespmem:s29+$0x14530]  }
0x1b1: {  	v7 =	vld [tilespmem:s29+$0x8530]  }
.Ltmp2:
0x1b2: {  	[tilespmem:s29+$0x14500] =	vst v0;
	v3 =	vsub.f32 v3, v4;
	v0 =	vld [tilespmem:s29+$0x14580];
	(pc) =	sbr.rel @p0 .LBB2_6-.Ltmp2, $4  }
0x1b3: {  	v2 =	vld [tilespmem:s29+$0x8580]  }
0x1b4: {  	[tilespmem:s29+$0x14510] =	vst v3;
	v4 =	vsub.f32 v1, v6;
	v1 =	vld [tilespmem:s29+$0x14590]  }
0x1b5: {  	v3 =	vld [tilespmem:s29+$0x8590]  }
0x1b6: {  	s0 =	sadd.s32 $0x1000, s0;
	[tilespmem:s29+$0x14520] =	vst v4;
	v5 =	vsub.f32 v5, v7;
	v4 =	vld [tilespmem:s29+$0x145A0]  }
0x1b7: {  	v6 =	vld [tilespmem:s29+$0x85A0];
	_ =	sdelay $0x2  }
0x1b8: {  	v0 =	vsub.f32 v0, v2  }
0x1b9: {  	[tilespmem:s29+$0x14530] =	vst v5;
	v1 =	vsub.f32 v1, v3  }
0x1ba: {  	[tilespmem:s29+$0x14580] =	vst v0;
	v0 =	vsub.f32 v4, v6  }
0x1bb: {  	[tilespmem:s29+$0x14590] =	vst v1  }
0x1bc: {  	s0 =	simm.s32 $0x0;
	[tilespmem:s29+$0x145A0] =	vst v0  }
0x1bd: {  	[hbm4b:s8+s0] =	stream.linear.scatter [tilespmem:s24], [sflag:$0x5], $0x4000, $0x38;
	[tilespmem:$0x1C200] =	vst v63  }
0x1be: {  	_ =	swait.ge [sflag:s19], $0x4000  }
0x1bf: {  	[sflag:s19] =	ssyncset.done $0x0  }
0x1c0: {  	s29 =	simm.s32 $0x0;
	[sflag:s19] =	ssyncadd.s32 $0xFFFFC000  }
0x1c1: {  	v0 =	vld [tilespmem:s29+$0x185B0]  }
0x1c2: {  	v1 =	vld [tilespmem:s29+$0x5B0]  }
0x1c3: {  	v2 =	vld [tilespmem:s29+$0x18200]  }
0x1c4: {  	v3 =	vld [tilespmem:s29+$0x200]  }
0x1c5: {  	v4 =	vld [tilespmem:s29+$0x18210]  }
0x1c6: {  	v5 =	vld [tilespmem:s29+$0x210]  }
0x1c7: {  	v6 =	vld [tilespmem:s29+$0x18220]  }
0x1c8: {  	v7 =	vld [tilespmem:s29+$0x220]  }
0x1c9: {  	v8 =	vld [tilespmem:s29+$0x18230]  }
0x1ca: {  	v9 =	vld [tilespmem:s29+$0x230]  }
0x1cb: {  	v10 =	vld [tilespmem:s29+$0x18280]  }
0x1cc: {  	v11 =	vld [tilespmem:s29+$0x280]  }
0x1cd: {  	v12 =	vld [tilespmem:s29+$0x18290]  }
0x1ce: {  	v13 =	vld [tilespmem:s29+$0x290]  }
0x1cf: {  	v14 =	vld [tilespmem:s29+$0x182A0]  }
0x1d0: {  	v15 =	vld [tilespmem:s29+$0x2A0]  }
0x1d1: {  	v16 =	vld [tilespmem:s29+$0x182B0]  }
0x1d2: {  	v17 =	vld [tilespmem:s29+$0x2B0]  }
0x1d3: {  	v18 =	vld [tilespmem:s29+$0x18300]  }
0x1d4: {  	v19 =	vld [tilespmem:s29+$0x300]  }
0x1d5: {  	v20 =	vld [tilespmem:s29+$0x18310]  }
0x1d6: {  	v21 =	vld [tilespmem:s29+$0x310]  }
0x1d7: {  	v22 =	vld [tilespmem:s29+$0x18320]  }
0x1d8: {  	v23 =	vld [tilespmem:s29+$0x320]  }
0x1d9: {  	v24 =	vld [tilespmem:s29+$0x18330]  }
0x1da: {  	v25 =	vld [tilespmem:s29+$0x330]  }
0x1db: {  	v26 =	vld [tilespmem:s29+$0x18380]  }
0x1dc: {  	v27 =	vld [tilespmem:s29+$0x380]  }
0x1dd: {  	v28 =	vld [tilespmem:s29+$0x18390]  }
0x1de: {  	v29 =	vld [tilespmem:s29+$0x390]  }
0x1df: {  	v30 =	vld [tilespmem:s29+$0x183A0]  }
0x1e0: {  	v31 =	vld [tilespmem:s29+$0x3A0]  }
0x1e1: {  	v32 =	vld [tilespmem:s29+$0x183B0]  }
0x1e2: {  	v51 =	vld [tilespmem:s29+$0x420];
	v0 =	vsub.f32 v0, v1  }
0x1e3: {  	v52 =	vld [tilespmem:s29+$0x18430];
	v2 =	vsub.f32 v2, v3  }
0x1e4: {  	v53 =	vld [tilespmem:s29+$0x430];
	[tilespmem:s29+$0x185B0] =	vst v0;
	v0 =	vsub.f32 v4, v5  }
0x1e5: {  	v54 =	vld [tilespmem:s29+$0x18480];
	[tilespmem:s29+$0x18200] =	vst v2;
	v2 =	vsub.f32 v6, v7  }
0x1e6: {  	v55 =	vld [tilespmem:s29+$0x480];
	[tilespmem:s29+$0x18210] =	vst v0;
	v0 =	vsub.f32 v8, v9  }
0x1e7: {  	v56 =	vld [tilespmem:s29+$0x18490];
	[tilespmem:s29+$0x18220] =	vst v2;
	v2 =	vsub.f32 v10, v11  }
0x1e8: {  	v57 =	vld [tilespmem:s29+$0x490];
	[tilespmem:s29+$0x18230] =	vst v0;
	v0 =	vsub.f32 v12, v13  }
0x1e9: {  	v58 =	vld [tilespmem:s29+$0x184A0];
	[tilespmem:s29+$0x18280] =	vst v2;
	v2 =	vsub.f32 v14, v15  }
0x1ea: {  	v59 =	vld [tilespmem:s29+$0x4A0];
	[tilespmem:s29+$0x18290] =	vst v0;
	v0 =	vsub.f32 v16, v17  }
0x1eb: {  	v1 =	vld [tilespmem:s29+$0x3B0];
	[tilespmem:s29+$0x182A0] =	vst v2;
	v2 =	vsub.f32 v18, v19  }
0x1ec: {  	v3 =	vld [tilespmem:s29+$0x18400];
	[tilespmem:s29+$0x182B0] =	vst v0;
	v0 =	vsub.f32 v20, v21  }
0x1ed: {  	v4 =	vld [tilespmem:s29+$0x400];
	[tilespmem:s29+$0x18300] =	vst v2;
	v2 =	vsub.f32 v22, v23  }
0x1ee: {  	v5 =	vld [tilespmem:s29+$0x18410];
	[tilespmem:s29+$0x18310] =	vst v0;
	v0 =	vsub.f32 v24, v25  }
0x1ef: {  	v6 =	vld [tilespmem:s29+$0x410];
	[tilespmem:s29+$0x18320] =	vst v2;
	v2 =	vsub.f32 v26, v27  }
0x1f0: {  	v7 =	vld [tilespmem:s29+$0x18420];
	[tilespmem:s29+$0x18330] =	vst v0;
	v0 =	vsub.f32 v28, v29  }
0x1f1: {  	v60 =	vld [tilespmem:s29+$0x184B0];
	[tilespmem:s29+$0x18380] =	vst v2;
	v2 =	vsub.f32 v30, v31  }
0x1f2: {  	v61 =	vld [tilespmem:s29+$0x520];
	[tilespmem:s29+$0x18390] =	vst v0;
	v0 =	vsub.f32 v32, v1  }
0x1f3: {  	v1 =	vld [tilespmem:s29+$0x4B0];
	[tilespmem:s29+$0x183A0] =	vst v2;
	v2 =	vsub.f32 v3, v4  }
0x1f4: {  	v3 =	vld [tilespmem:s29+$0x18500];
	[tilespmem:s29+$0x183B0] =	vst v0;
	v0 =	vsub.f32 v5, v6  }
0x1f5: {  	v4 =	vld [tilespmem:s29+$0x500];
	[tilespmem:s29+$0x18400] =	vst v2;
	v2 =	vsub.f32 v7, v51  }
0x1f6: {  	v5 =	vld [tilespmem:s29+$0x18510];
	[tilespmem:s29+$0x18410] =	vst v0;
	v0 =	vsub.f32 v52, v53  }
0x1f7: {  	v6 =	vld [tilespmem:s29+$0x510];
	[tilespmem:s29+$0x18420] =	vst v2;
	v2 =	vsub.f32 v54, v55  }
0x1f8: {  	v7 =	vld [tilespmem:s29+$0x18520];
	v1 =	vsub.f32 v60, v1;
	[tilespmem:s29+$0x18430] =	vst v0  }
0x1f9: {  	v62 =	vld [tilespmem:s29+$0x18530];
	v0 =	vsub.f32 v56, v57;
	[tilespmem:s29+$0x18480] =	vst v2  }
0x1fa: {  	v63 =	vld [tilespmem:s29+$0x530];
	v2 =	vsub.f32 v58, v59;
	[tilespmem:s29+$0x184B0] =	vst v1  }
0x1fb: {  	v3 =	vsub.f32 v3, v4;
	[tilespmem:s29+$0x18490] =	vst v0;
	v0 =	vld [tilespmem:s29+$0x18580]  }
0x1fc: {  	v4 =	vsub.f32 v5, v6;
	[tilespmem:s29+$0x184A0] =	vst v2;
	v2 =	vld [tilespmem:s29+$0x580]  }
0x1fd: {  	[tilespmem:s29+$0x18500] =	vst v3;
	v5 =	vsub.f32 v7, v61;
	v1 =	vld [tilespmem:s29+$0x18590]  }
0x1fe: {  	v3 =	vld [tilespmem:s29+$0x590];
	[tilespmem:s29+$0x18510] =	vst v4  }
0x1ff: {  	s30 =	simm.s32 $0x0;
	s0 =	simm.s32 $0x1000;
	[tilespmem:s29+$0x18520] =	vst v5;
	v5 =	vsub.f32 v62, v63;
	v4 =	vld [tilespmem:s29+$0x185A0]  }
.LBB2_8:
0x200: {  	s31 =	sshra.s32 s0, $0x2;
	v6 =	vld [tilespmem:s29+$0x5A0]  }
0x201: {  	s30 =	sadd.s32 $0x8, s30;
	v7 =	vld [tilespmem:s31+$0x185B0];
	[tilespmem:s29+$0x18530] =	vst v5;
	v0 =	vsub.f32 v0, v2  }
0x202: {  	p0 =	slt.u32 s30, $0x78;
	v2 =	vld [tilespmem:s31+$0x5B0]  }
0x203: {  	v5 =	vld [tilespmem:s31+$0x18200];
	[tilespmem:s29+$0x18580] =	vst v0;
	v0 =	vsub.f32 v1, v3  }
0x204: {  	v1 =	vld [tilespmem:s31+$0x200]  }
0x205: {  	v3 =	vld [tilespmem:s31+$0x18210];
	[tilespmem:s29+$0x18590] =	vst v0;
	v0 =	vsub.f32 v4, v6  }
0x206: {  	v4 =	vld [tilespmem:s31+$0x210]  }
0x207: {  	v6 =	vld [tilespmem:s31+$0x18220];
	v2 =	vsub.f32 v7, v2;
	[tilespmem:s29+$0x185A0] =	vst v0;
	s29 =	smov.u32 s31  }
0x208: {  	v0 =	vld [tilespmem:s29+$0x220]  }
0x209: {  	v1 =	vsub.f32 v5, v1;
	v5 =	vld [tilespmem:s29+$0x18230];
	[tilespmem:s29+$0x185B0] =	vst v2  }
0x20a: {  	v2 =	vld [tilespmem:s29+$0x230]  }
0x20b: {  	[tilespmem:s29+$0x18200] =	vst v1;
	v1 =	vsub.f32 v3, v4;
	v3 =	vld [tilespmem:s29+$0x18280]  }
0x20c: {  	v4 =	vld [tilespmem:s29+$0x280]  }
0x20d: {  	[tilespmem:s29+$0x18210] =	vst v1;
	v0 =	vsub.f32 v6, v0;
	v1 =	vld [tilespmem:s29+$0x18290]  }
0x20e: {  	v6 =	vld [tilespmem:s29+$0x290]  }
0x20f: {  	[tilespmem:s29+$0x18220] =	vst v0;
	v0 =	vsub.f32 v5, v2;
	v2 =	vld [tilespmem:s29+$0x182A0]  }
0x210: {  	v5 =	vld [tilespmem:s29+$0x2A0]  }
0x211: {  	[tilespmem:s29+$0x18230] =	vst v0;
	v0 =	vsub.f32 v3, v4;
	v3 =	vld [tilespmem:s29+$0x182B0]  }
0x212: {  	v4 =	vld [tilespmem:s29+$0x2B0]  }
0x213: {  	[tilespmem:s29+$0x18280] =	vst v0;
	v0 =	vsub.f32 v1, v6;
	v1 =	vld [tilespmem:s29+$0x18300]  }
0x214: {  	v6 =	vld [tilespmem:s29+$0x300]  }
0x215: {  	[tilespmem:s29+$0x18290] =	vst v0;
	v0 =	vsub.f32 v2, v5;
	v2 =	vld [tilespmem:s29+$0x18310]  }
0x216: {  	v5 =	vld [tilespmem:s29+$0x310]  }
0x217: {  	[tilespmem:s29+$0x182A0] =	vst v0;
	v0 =	vsub.f32 v3, v4;
	v3 =	vld [tilespmem:s29+$0x18320]  }
0x218: {  	v4 =	vld [tilespmem:s29+$0x320]  }
0x219: {  	[tilespmem:s29+$0x182B0] =	vst v0;
	v0 =	vsub.f32 v1, v6;
	v1 =	vld [tilespmem:s29+$0x18330]  }
0x21a: {  	v6 =	vld [tilespmem:s29+$0x330]  }
0x21b: {  	[tilespmem:s29+$0x18300] =	vst v0;
	v0 =	vsub.f32 v2, v5;
	v2 =	vld [tilespmem:s29+$0x18380]  }
0x21c: {  	v5 =	vld [tilespmem:s29+$0x380]  }
0x21d: {  	[tilespmem:s29+$0x18310] =	vst v0;
	v0 =	vsub.f32 v3, v4;
	v3 =	vld [tilespmem:s29+$0x18390]  }
0x21e: {  	v4 =	vld [tilespmem:s29+$0x390]  }
0x21f: {  	[tilespmem:s29+$0x18320] =	vst v0;
	v0 =	vsub.f32 v1, v6;
	v1 =	vld [tilespmem:s29+$0x183A0]  }
0x220: {  	v6 =	vld [tilespmem:s29+$0x3A0]  }
0x221: {  	[tilespmem:s29+$0x18330] =	vst v0;
	v0 =	vsub.f32 v2, v5;
	v2 =	vld [tilespmem:s29+$0x183B0]  }
0x222: {  	v5 =	vld [tilespmem:s29+$0x3B0]  }
0x223: {  	[tilespmem:s29+$0x18380] =	vst v0;
	v0 =	vsub.f32 v3, v4;
	v3 =	vld [tilespmem:s29+$0x18400]  }
0x224: {  	v4 =	vld [tilespmem:s29+$0x400]  }
0x225: {  	[tilespmem:s29+$0x18390] =	vst v0;
	v0 =	vsub.f32 v1, v6;
	v1 =	vld [tilespmem:s29+$0x18410]  }
0x226: {  	v6 =	vld [tilespmem:s29+$0x410]  }
0x227: {  	[tilespmem:s29+$0x183A0] =	vst v0;
	v0 =	vsub.f32 v2, v5;
	v2 =	vld [tilespmem:s29+$0x18420]  }
0x228: {  	v5 =	vld [tilespmem:s29+$0x420]  }
0x229: {  	[tilespmem:s29+$0x183B0] =	vst v0;
	v0 =	vsub.f32 v3, v4;
	v3 =	vld [tilespmem:s29+$0x18430]  }
0x22a: {  	v4 =	vld [tilespmem:s29+$0x430]  }
0x22b: {  	[tilespmem:s29+$0x18400] =	vst v0;
	v0 =	vsub.f32 v1, v6;
	v1 =	vld [tilespmem:s29+$0x18480]  }
0x22c: {  	v6 =	vld [tilespmem:s29+$0x480]  }
0x22d: {  	[tilespmem:s29+$0x18410] =	vst v0;
	v0 =	vsub.f32 v2, v5;
	v2 =	vld [tilespmem:s29+$0x18490]  }
0x22e: {  	v5 =	vld [tilespmem:s29+$0x490]  }
0x22f: {  	[tilespmem:s29+$0x18420] =	vst v0;
	v0 =	vsub.f32 v3, v4;
	v3 =	vld [tilespmem:s29+$0x184A0]  }
0x230: {  	v4 =	vld [tilespmem:s29+$0x4A0]  }
0x231: {  	[tilespmem:s29+$0x18430] =	vst v0;
	v0 =	vsub.f32 v1, v6;
	v1 =	vld [tilespmem:s29+$0x184B0]  }
0x232: {  	v6 =	vld [tilespmem:s29+$0x4B0]  }
0x233: {  	[tilespmem:s29+$0x18480] =	vst v0;
	v0 =	vsub.f32 v2, v5;
	v2 =	vld [tilespmem:s29+$0x18500]  }
0x234: {  	v5 =	vld [tilespmem:s29+$0x500]  }
0x235: {  	[tilespmem:s29+$0x18490] =	vst v0;
	v0 =	vsub.f32 v3, v4;
	v3 =	vld [tilespmem:s29+$0x18510]  }
0x236: {  	v4 =	vld [tilespmem:s29+$0x510]  }
0x237: {  	[tilespmem:s29+$0x184A0] =	vst v0;
	v0 =	vsub.f32 v1, v6;
	v1 =	vld [tilespmem:s29+$0x18520]  }
0x238: {  	v6 =	vld [tilespmem:s29+$0x520]  }
0x239: {  	[tilespmem:s29+$0x184B0] =	vst v0;
	v0 =	vsub.f32 v2, v5;
	v5 =	vld [tilespmem:s29+$0x18530]  }
0x23a: {  	v7 =	vld [tilespmem:s29+$0x530]  }
.Ltmp3:
0x23b: {  	[tilespmem:s29+$0x18500] =	vst v0;
	v3 =	vsub.f32 v3, v4;
	v0 =	vld [tilespmem:s29+$0x18580];
	(pc) =	sbr.rel @p0 .LBB2_8-.Ltmp3, $4  }
0x23c: {  	v2 =	vld [tilespmem:s29+$0x580]  }
0x23d: {  	[tilespmem:s29+$0x18510] =	vst v3;
	v4 =	vsub.f32 v1, v6;
	v1 =	vld [tilespmem:s29+$0x18590]  }
0x23e: {  	v3 =	vld [tilespmem:s29+$0x590]  }
0x23f: {  	s0 =	sadd.s32 $0x1000, s0;
	[tilespmem:s29+$0x18520] =	vst v4;
	v5 =	vsub.f32 v5, v7;
	v4 =	vld [tilespmem:s29+$0x185A0]  }
0x240: {  	v6 =	vld [tilespmem:s29+$0x5A0];
	_ =	sdelay $0x2  }
0x241: {  	v0 =	vsub.f32 v0, v2  }
0x242: {  	[tilespmem:s29+$0x18530] =	vst v5;
	v1 =	vsub.f32 v1, v3  }
0x243: {  	[tilespmem:s29+$0x18580] =	vst v0;
	v63 =	vsub.f32 v4, v6  }
0x244: {  	[tilespmem:s29+$0x18590] =	vst v1  }
0x245: {  	[tilespmem:s29+$0x185A0] =	vst v63  }
0x246: {  	[hbm4b:s9+s3] =	stream.linear.scatter [tilespmem:s25], [sflag:$0x5], $0x4000, $0x38;
	[tilespmem:$0x1C200] =	vst v63  }
0x247: {  	_ =	swait.ge [sflag:s26], $0x4000  }
0x248: {  	[sflag:s26] =	ssyncset.done $0x0  }
0x249: {  	[sflag:s26] =	ssyncadd.s32 $0xFFFFC000  }
0x24a: {  	_ =	swait.ge [sflag:s26], $0x4000  }
0x24b: {  	[sflag:s26] =	ssyncset.done $0x0  }
0x24c: {  	s28 =	sadd.s32 $0x1, s28;
	[sflag:s26] =	ssyncadd.s32 $0xFFFFC000  }
0x24d: {  	p0 =	sne.s32 s28, s10;
	_ =	swait.ge [sflag:s26], $0x4000  }
.Ltmp4:
0x24e: {  	[sflag:s26] =	ssyncset.done $0x0;
	(pc) =	sbr.rel @p0 .LBB2_1-.Ltmp4, $4  }
0x24f: {  	[sflag:s26] =	ssyncadd.s32 $0xFFFFC000  }
0x250: {  	_ =	swait.ge [sflag:s26], $0x4000  }
0x251: {  	[sflag:s26] =	ssyncset.done $0x0  }
0x252: {  	[sflag:s26] =	ssyncadd.s32 $0xFFFFC000  }
0x253: {  	_ =	sfence.sel $0x180000  }
0x254: {  	[bflag:$0x0] =	sbarrier.arrive $0xFFFF  }
0x255: {  	_ =	strace $0x90000047  }
0x256: {  	[bflag:$0x2] =	sbarrier.arrive $0xFFFF  }
0x257: {  	p0 =	sne.s32 s1, $0x0;
	s0 =	rddreg [dreg:$0x3]  }
0x258: {  	s0 =	sadd.s32 @!p0 $0x100000, s0  }
0x259: {  	[sflag:s0] =	ssyncadd.tile.s32 @!p0 $0x1;
	_ =	shalt  }
.Lfunc_end2:
_tile_overlayer_lowered:
.L_overlay_start_2:
0x25a: {  	(tag) =	ssettag $0x2  }
0x25b: {  	s0 =	rddreg [dreg:$0x0];
	s2 =	stileid.u32  }
0x25c: {  	s1 =	rddreg [dreg:$0x1];
	p0 =	sne.s32 s2, $0x0  }
0x25d: {  	s3 =	rddreg [dreg:$0x2];
	[bflag:$0x3] =	sbarrier.arrive $0xFFFF;
	s2 =	simm.s32 @!p0 $0x1C06  }
0x25e: {  	[timem:s3], [sflag:s2] =	dma.local @!p0 [hbm:s0], s1  }
0x25f: {  	s0 =	simm.s32 @!p0 $0x6  }
0x260: {  	_ =	swait.ge @!p0 [sflag:s0], s1  }
0x261: {  	s1 =	ssub.s32 @!p0 $0x0, s1;
	[sflag:s0] =	ssyncset.done @!p0 $0x0  }
0x262: {  	[sflag:s0] =	ssyncadd.s32 @!p0 s1  }
0x263: {  	[bflag:$0x3] =	sbarrier.arrive $0xFFFF  }
0x264: {  	_ =	shalt  }

</sc_bundles>
